<compile_context>
chip_gen: v7x
topology: tpu7x:2x2x1
jax: 0.10.2.dev20260603
libtpu: 0.0.44.dev20260713+nightly
codegen_flags: <defaults>
</compile_context>

<pallas_src>
import functools

import jax
import jax.numpy as jnp
from jax import lax
from jax.experimental import pallas as pl
from jax.experimental.pallas import tpu as pltpu
from jax.experimental.pallas import tpu_sc as plsc

_VOCAB = 100000
_DIM = 64
_SEQ = 50
_BATCH = 4096
_LANES = 16

_PROWS = 56
_VPAD = 100096
_BN = 5888

_NC = 2
_NS = 16
_NW = _NC * _NS

_CR = 16
_IDX_PER_CHUNK = _CR * _SEQ
_GPIECE = 80
_NPIECE = _IDX_PER_CHUNK // _GPIECE
_NCHUNKS = _BATCH // _CR
_CPW = _NCHUNKS // _NW


_NT = _BN // 128
_VT = _VPAD // 128


def _pmat_body(w_ref, et_ref, o_ref):
  m = jnp.dot(w_ref[...], et_ref[...], preferred_element_type=jnp.float32)
  for t in range(_NT):
    o_ref[t] = m[:, t * 128:(t + 1) * 128]


def _tc_pmat(w2t, emb_t):
  grid = _VT // _NT
  return pl.pallas_call(
      _pmat_body,
      grid=(grid,),
      in_specs=[
          pl.BlockSpec((_PROWS, _DIM), lambda i: (0, 0)),
          pl.BlockSpec((_DIM, _BN), lambda i: (0, i)),
      ],
      out_specs=pl.BlockSpec((_NT, _PROWS, 128), lambda i: (i, 0, 0)),
      out_shape=jax.ShapeDtypeStruct((_VT, _PROWS, 128), jnp.float32),
  )(w2t, emb_t)


def _sc_gather_sum(xq, p1d, bvec):
  mesh = plsc.VectorSubcoreMesh(core_axis_name="c", subcore_axis_name="s")

  @functools.partial(
      pl.kernel,
      out_type=jax.ShapeDtypeStruct((_BATCH,), jnp.float32),
      mesh=mesh,
      compiler_params=pltpu.CompilerParams(
          needs_layout_passes=False, use_tc_tiling_on_sc=False),
      scratch_types=[
          pltpu.VMEM((_NPIECE, _GPIECE), jnp.int32),
          pltpu.VMEM((_NPIECE, _GPIECE), jnp.int32),
          pltpu.VMEM((_IDX_PER_CHUNK,), jnp.float32),
          pltpu.VMEM((_IDX_PER_CHUNK,), jnp.float32),
          pltpu.VMEM((_CPW * _CR,), jnp.float32),
          pltpu.VMEM((_LANES,), jnp.float32),
          pltpu.SemaphoreType.DMA,
          pltpu.SemaphoreType.DMA,
      ],
  )
  def k(xq_hbm, p_hbm, bvec_hbm, out_hbm,
        idx0, idx1, g0, g1, outst_v, bvec_v, s0, s1):
    wid = lax.axis_index("s") * _NC + lax.axis_index("c")
    first = wid * _CPW
    idx_bufs = (idx0, idx1)
    g_bufs = (g0, g1)
    sems = (s0, s1)

    pltpu.sync_copy(bvec_hbm, bvec_v)
    bv = bvec_v[...]

    def issue(ck, buf):
      pltpu.sync_copy(xq_hbm.at[ck], idx_bufs[buf])
      for j in range(_NPIECE):
        pltpu.async_copy(
            p_hbm.at[idx_bufs[buf].at[j]],
            g_bufs[buf].at[pl.ds(j * _GPIECE, _GPIECE)],
            sems[buf])

    def drain(buf):
      pltpu.make_async_copy(
          p_hbm.at[pl.ds(0, _IDX_PER_CHUNK)], g_bufs[buf], sems[buf]).wait()

    def compute(g, buf):
      gv = g_bufs[buf]
      ov = bv
      for l in range(_SEQ):
        ov = ov + gv[pl.ds(l * _LANES, _LANES)]
      outst_v[pl.ds(g * _CR, _CR)] = ov

    issue(first, 0)

    def step(t, _):
      gch = t * 2
      issue(first + gch + 1, 1)
      drain(0)
      compute(gch, 0)

      @pl.when(gch + 2 < _CPW)
      def _():
        issue(first + gch + 2, 0)

      drain(1)
      compute(gch + 1, 1)
      return 0

    lax.fori_loop(0, _CPW // 2, step, 0)

    pltpu.sync_copy(outst_v, out_hbm.at[pl.ds(wid * (_CPW * _CR), _CPW * _CR)])

  return k(xq, p1d, bvec)


def kernel(x, emb, W, b):
  wr = W.reshape(_SEQ, _DIM)
  w2t = jnp.zeros((_PROWS, _DIM), jnp.float32).at[:_SEQ].set(wr)
  pt = _tc_pmat(w2t, emb.T)
  p1d = pt.reshape(-1)

  xi = x.astype(jnp.int32)
  xe = ((xi >> 7) * (_PROWS * 128) + (xi & 127)
        + 128 * jnp.arange(_SEQ, dtype=jnp.int32)[None, :])
  xq = xe.reshape(_NCHUNKS, _CR, _SEQ).transpose(0, 2, 1).reshape(
      _NCHUNKS, _NPIECE, _GPIECE)

  bvec = jnp.broadcast_to(b.astype(jnp.float32), (_LANES,))
  return _sc_gather_sum(xq, p1d, bvec)

# --- scband reference (transcript-rebuilt; emitter-appended) ---
"""Pipeline reference for scband-embedding-net-11914239279633 (READ-ONLY COPY).

The authoritative reference and input builder live on the scoring server;
editing this copy changes nothing except your own understanding.
"""

import jax, jax.numpy as jnp
import numpy as np

VOCAB = 100000
EMBED_DIM = 64
SEQ_LEN = 50
BATCH = 4096

def setup_inputs(seed: int = 0) -> dict:
    key = jax.random.key(seed)
    k_x, k_emb, k_w, k_b = jax.random.split(key, 4)
    x = jax.random.randint(k_x, (BATCH, SEQ_LEN), 0, VOCAB, dtype=jnp.int64 if jax.config.jax_enable_x64 else jnp.int32)
    emb = jax.random.normal(k_emb, (VOCAB, EMBED_DIM), dtype=jnp.float32)
    # nn.Linear default init: uniform(-1/sqrt(fan_in), 1/sqrt(fan_in))
    fan_in = SEQ_LEN * EMBED_DIM
    bound = 1.0 / np.sqrt(fan_in)
    W = jax.random.uniform(k_w, (1, fan_in), minval=-bound, maxval=bound, dtype=jnp.float32)
    b = jax.random.uniform(k_b, (1,), minval=-bound, maxval=bound, dtype=jnp.float32)
    return {"x": x, "emb": emb, "W": W, "b": b}

def reference(x, emb, W, b):
    # embedding lookup (gather)
    embedded = jnp.take(emb, x, axis=0)  # [B, L, D]
    flatten = embedded.reshape(-1, SEQ_LEN * EMBED_DIM)  # [B, L*D]
    out = flatten @ W.T + b  # [B, 1]
    return jnp.squeeze(out)

if __name__ == "__main__":
    import jax
    _d = setup_inputs()
    print(jax.jit(kernel)(*tuple(_d.values())))

</pallas_src>

<mosaic_0001>
#map = affine_map<(d0, d1) -> (0, 0, 0)>
#map1 = affine_map<(d0, d1) -> (0)>
module attributes {stable_mosaic.version = 14 : i64} {
  func.func @k(%arg0: i32, %arg1: i32, %arg2: memref<256x10x80xi32, #tpu.memory_space<hbm>>, %arg3: memref<5605376xf32, #tpu.memory_space<hbm>>, %arg4: memref<16xf32, #tpu.memory_space<hbm>>, %arg5: memref<4096xf32, #tpu.memory_space<hbm>>, %arg6: memref<10x80xi32, #tpu.memory_space<vmem>>, %arg7: memref<10x80xi32, #tpu.memory_space<vmem>>, %arg8: memref<800xf32, #tpu.memory_space<vmem>>, %arg9: memref<800xf32, #tpu.memory_space<vmem>>, %arg10: memref<128xf32, #tpu.memory_space<vmem>>, %arg11: memref<16xf32, #tpu.memory_space<vmem>>, %arg12: memref<!tpu.dma_semaphore, #tpu.memory_space<semaphore_mem>>, %arg13: memref<!tpu.dma_semaphore, #tpu.memory_space<semaphore_mem>>) attributes {dimension_semantics = [#tpu.dimension_semantics<core_parallel>, #tpu.dimension_semantics<subcore_parallel>], iteration_bounds = array<i64: 2, 16>, scalar_prefetch = 0 : i64, scratch_operands = 8 : i64, tpu.core_type = #tpu.core_type<sc_vector_subcore>, window_params = [{transform_indices = #map}, {transform_indices = #map1}, {transform_indices = #map1}, {transform_indices = #map1}]} {
    %mul3A = arith.constant 2 : i32
    %mul3A_0 = arith.muli %arg1, %mul3A : i32
    %add3A = arith.addi %mul3A_0, %arg0 : i32
    %mul3A_1 = arith.constant 8 : i32
    %mul3A_2 = arith.muli %add3A, %mul3A_1 : i32
    "tpu.region"() ({
      %run_scoped3A = tpu.sem_alloc : memref<!tpu.dma_semaphore, #tpu.memory_space<semaphore_mem>>
      tpu.enqueue_dma source(%arg4 : memref<16xf32, #tpu.memory_space<hbm>>) target(%arg11 : memref<16xf32, #tpu.memory_space<vmem>>) target_semaphore(%run_scoped3A : memref<!tpu.dma_semaphore, #tpu.memory_space<semaphore_mem>>)
      tpu.wait_dma2 semaphore(%run_scoped3A : memref<!tpu.dma_semaphore, #tpu.memory_space<semaphore_mem>>) src(%arg4 : memref<16xf32, #tpu.memory_space<hbm>>) dst(%arg11 : memref<16xf32, #tpu.memory_space<vmem>>)
      tpu.yield
    }) : () -> ()
    %get3A = arith.constant 0 : index
    %get3A_3 = tpu.vector_load %arg11[%get3A] {strides = array<i32>} : memref<16xf32, #tpu.memory_space<vmem>>, vector<16xf32>,
    "tpu.region"() ({
      %run_scoped3A = tpu.sem_alloc : memref<!tpu.dma_semaphore, #tpu.memory_space<semaphore_mem>>
      %dma_start3A_91 = arith.constant 0 : i32
      %dma_start3A_92 = arith.constant 0 : i32
      %dma_start3A_93 = tpu.memref_slice %arg2[%mul3A_2, %dma_start3A_91, %dma_start3A_92] : memref<256x10x80xi32, #tpu.memory_space<hbm>> -> memref<1x10x80xi32, #tpu.memory_space<hbm>>
      %dma_start3A_94 = tpu.memref_squeeze %dma_start3A_93 : memref<1x10x80xi32, #tpu.memory_space<hbm>> -> memref<10x80xi32, #tpu.memory_space<hbm>>
      %dma_start3A_95 = arith.constant 0 : i32
      %dma_start3A_96 = arith.constant 0 : i32
      %dma_start3A_97 = tpu.memref_slice %arg2[%mul3A_2, %dma_start3A_95, %dma_start3A_96] : memref<256x10x80xi32, #tpu.memory_space<hbm>> -> memref<1x10x80xi32, #tpu.memory_space<hbm>>
      %dma_start3A_98 = tpu.memref_squeeze %dma_start3A_97 : memref<1x10x80xi32, #tpu.memory_space<hbm>> -> memref<10x80xi32, #tpu.memory_space<hbm>>
      tpu.enqueue_dma source(%dma_start3A_98 : memref<10x80xi32, #tpu.memory_space<hbm>>) target(%arg6 : memref<10x80xi32, #tpu.memory_space<vmem>>) target_semaphore(%run_scoped3A : memref<!tpu.dma_semaphore, #tpu.memory_space<semaphore_mem>>)
      %dma_wait3A = arith.constant 0 : i32
      %dma_wait3A_99 = arith.constant 0 : i32
      %dma_wait3A_100 = tpu.memref_slice %arg2[%mul3A_2, %dma_wait3A, %dma_wait3A_99] : memref<256x10x80xi32, #tpu.memory_space<hbm>> -> memref<1x10x80xi32, #tpu.memory_space<hbm>>
      %dma_wait3A_101 = tpu.memref_squeeze %dma_wait3A_100 : memref<1x10x80xi32, #tpu.memory_space<hbm>> -> memref<10x80xi32, #tpu.memory_space<hbm>>
      %dma_wait3A_102 = arith.constant 0 : i32
      %dma_wait3A_103 = arith.constant 0 : i32
      %dma_wait3A_104 = tpu.memref_slice %arg2[%mul3A_2, %dma_wait3A_102, %dma_wait3A_103] : memref<256x10x80xi32, #tpu.memory_space<hbm>> -> memref<1x10x80xi32, #tpu.memory_space<hbm>>
      %dma_wait3A_105 = tpu.memref_squeeze %dma_wait3A_104 : memref<1x10x80xi32, #tpu.memory_space<hbm>> -> memref<10x80xi32, #tpu.memory_space<hbm>>
      tpu.wait_dma2 semaphore(%run_scoped3A : memref<!tpu.dma_semaphore, #tpu.memory_space<semaphore_mem>>) src(%dma_wait3A_105 : memref<10x80xi32, #tpu.memory_space<hbm>>) dst(%arg6 : memref<10x80xi32, #tpu.memory_space<vmem>>)
      tpu.yield
    }) : () -> ()
    %dma_start3A = arith.constant 0 : i32
    %dma_start3A_4 = arith.constant 0 : i32
    %dma_start3A_5 = tpu.memref_slice %arg8[%dma_start3A_4] : memref<800xf32, #tpu.memory_space<vmem>> -> memref<80xf32, #tpu.memory_space<vmem>>
    %dma_start3A_6 = arith.constant 0 : i32
    %dma_start3A_7 = tpu.memref_slice %arg6[%dma_start3A, %dma_start3A_6] : memref<10x80xi32, #tpu.memory_space<vmem>> -> memref<1x80xi32, #tpu.memory_space<vmem>>
    %dma_start3A_8 = tpu.memref_squeeze %dma_start3A_7 : memref<1x80xi32, #tpu.memory_space<vmem>> -> memref<80xi32, #tpu.memory_space<vmem>>
    %dma_start3A_9 = arith.constant 0 : i32
    %dma_start3A_10 = tpu.memref_slice %arg3[%dma_start3A_9] : memref<5605376xf32, #tpu.memory_space<hbm>> -> memref<5605376xf32, #tpu.memory_space<hbm>>
    tpu.enqueue_indirect_dma source(%dma_start3A_10 : memref<5605376xf32, #tpu.memory_space<hbm>>) target(%dma_start3A_5 : memref<80xf32, #tpu.memory_space<vmem>>) offsets(%dma_start3A_8 : memref<80xi32, #tpu.memory_space<vmem>>) semaphore(%arg12 : memref<!tpu.dma_semaphore, #tpu.memory_space<semaphore_mem>>)
    %dma_start3A_11 = arith.constant 1 : i32
    %dma_start3A_12 = arith.constant 80 : i32
    %dma_start3A_13 = tpu.memref_slice %arg8[%dma_start3A_12] : memref<800xf32, #tpu.memory_space<vmem>> -> memref<80xf32, #tpu.memory_space<vmem>>
    %dma_start3A_14 = arith.constant 0 : i32
    %dma_start3A_15 = tpu.memref_slice %arg6[%dma_start3A_11, %dma_start3A_14] : memref<10x80xi32, #tpu.memory_space<vmem>> -> memref<1x80xi32, #tpu.memory_space<vmem>>
    %dma_start3A_16 = tpu.memref_squeeze %dma_start3A_15 : memref<1x80xi32, #tpu.memory_space<vmem>> -> memref<80xi32, #tpu.memory_space<vmem>>
    %dma_start3A_17 = arith.constant 0 : i32
    %dma_start3A_18 = tpu.memref_slice %arg3[%dma_start3A_17] : memref<5605376xf32, #tpu.memory_space<hbm>> -> memref<5605376xf32, #tpu.memory_space<hbm>>
    tpu.enqueue_indirect_dma source(%dma_start3A_18 : memref<5605376xf32, #tpu.memory_space<hbm>>) target(%dma_start3A_13 : memref<80xf32, #tpu.memory_space<vmem>>) offsets(%dma_start3A_16 : memref<80xi32, #tpu.memory_space<vmem>>) semaphore(%arg12 : memref<!tpu.dma_semaphore, #tpu.memory_space<semaphore_mem>>)
    %dma_start3A_19 = arith.constant 2 : i32
    %dma_start3A_20 = arith.constant 160 : i32
    %dma_start3A_21 = tpu.memref_slice %arg8[%dma_start3A_20] : memref<800xf32, #tpu.memory_space<vmem>> -> memref<80xf32, #tpu.memory_space<vmem>>
    %dma_start3A_22 = arith.constant 0 : i32
    %dma_start3A_23 = tpu.memref_slice %arg6[%dma_start3A_19, %dma_start3A_22] : memref<10x80xi32, #tpu.memory_space<vmem>> -> memref<1x80xi32, #tpu.memory_space<vmem>>
    %dma_start3A_24 = tpu.memref_squeeze %dma_start3A_23 : memref<1x80xi32, #tpu.memory_space<vmem>> -> memref<80xi32, #tpu.memory_space<vmem>>
    %dma_start3A_25 = arith.constant 0 : i32
    %dma_start3A_26 = tpu.memref_slice %arg3[%dma_start3A_25] : memref<5605376xf32, #tpu.memory_space<hbm>> -> memref<5605376xf32, #tpu.memory_space<hbm>>
    tpu.enqueue_indirect_dma source(%dma_start3A_26 : memref<5605376xf32, #tpu.memory_space<hbm>>) target(%dma_start3A_21 : memref<80xf32, #tpu.memory_space<vmem>>) offsets(%dma_start3A_24 : memref<80xi32, #tpu.memory_space<vmem>>) semaphore(%arg12 : memref<!tpu.dma_semaphore, #tpu.memory_space<semaphore_mem>>)
    %dma_start3A_27 = arith.constant 3 : i32
    %dma_start3A_28 = arith.constant 240 : i32
    %dma_start3A_29 = tpu.memref_slice %arg8[%dma_start3A_28] : memref<800xf32, #tpu.memory_space<vmem>> -> memref<80xf32, #tpu.memory_space<vmem>>
    %dma_start3A_30 = arith.constant 0 : i32
    %dma_start3A_31 = tpu.memref_slice %arg6[%dma_start3A_27, %dma_start3A_30] : memref<10x80xi32, #tpu.memory_space<vmem>> -> memref<1x80xi32, #tpu.memory_space<vmem>>
    %dma_start3A_32 = tpu.memref_squeeze %dma_start3A_31 : memref<1x80xi32, #tpu.memory_space<vmem>> -> memref<80xi32, #tpu.memory_space<vmem>>
    %dma_start3A_33 = arith.constant 0 : i32
    %dma_start3A_34 = tpu.memref_slice %arg3[%dma_start3A_33] : memref<5605376xf32, #tpu.memory_space<hbm>> -> memref<5605376xf32, #tpu.memory_space<hbm>>
    tpu.enqueue_indirect_dma source(%dma_start3A_34 : memref<5605376xf32, #tpu.memory_space<hbm>>) target(%dma_start3A_29 : memref<80xf32, #tpu.memory_space<vmem>>) offsets(%dma_start3A_32 : memref<80xi32, #tpu.memory_space<vmem>>) semaphore(%arg12 : memref<!tpu.dma_semaphore, #tpu.memory_space<semaphore_mem>>)
    %dma_start3A_35 = arith.constant 4 : i32
    %dma_start3A_36 = arith.constant 320 : i32
    %dma_start3A_37 = tpu.memref_slice %arg8[%dma_start3A_36] : memref<800xf32, #tpu.memory_space<vmem>> -> memref<80xf32, #tpu.memory_space<vmem>>
    %dma_start3A_38 = arith.constant 0 : i32
    %dma_start3A_39 = tpu.memref_slice %arg6[%dma_start3A_35, %dma_start3A_38] : memref<10x80xi32, #tpu.memory_space<vmem>> -> memref<1x80xi32, #tpu.memory_space<vmem>>
    %dma_start3A_40 = tpu.memref_squeeze %dma_start3A_39 : memref<1x80xi32, #tpu.memory_space<vmem>> -> memref<80xi32, #tpu.memory_space<vmem>>
    %dma_start3A_41 = arith.constant 0 : i32
    %dma_start3A_42 = tpu.memref_slice %arg3[%dma_start3A_41] : memref<5605376xf32, #tpu.memory_space<hbm>> -> memref<5605376xf32, #tpu.memory_space<hbm>>
    tpu.enqueue_indirect_dma source(%dma_start3A_42 : memref<5605376xf32, #tpu.memory_space<hbm>>) target(%dma_start3A_37 : memref<80xf32, #tpu.memory_space<vmem>>) offsets(%dma_start3A_40 : memref<80xi32, #tpu.memory_space<vmem>>) semaphore(%arg12 : memref<!tpu.dma_semaphore, #tpu.memory_space<semaphore_mem>>)
    %dma_start3A_43 = arith.constant 5 : i32
    %dma_start3A_44 = arith.constant 400 : i32
    %dma_start3A_45 = tpu.memref_slice %arg8[%dma_start3A_44] : memref<800xf32, #tpu.memory_space<vmem>> -> memref<80xf32, #tpu.memory_space<vmem>>
    %dma_start3A_46 = arith.constant 0 : i32
    %dma_start3A_47 = tpu.memref_slice %arg6[%dma_start3A_43, %dma_start3A_46] : memref<10x80xi32, #tpu.memory_space<vmem>> -> memref<1x80xi32, #tpu.memory_space<vmem>>
    %dma_start3A_48 = tpu.memref_squeeze %dma_start3A_47 : memref<1x80xi32, #tpu.memory_space<vmem>> -> memref<80xi32, #tpu.memory_space<vmem>>
    %dma_start3A_49 = arith.constant 0 : i32
    %dma_start3A_50 = tpu.memref_slice %arg3[%dma_start3A_49] : memref<5605376xf32, #tpu.memory_space<hbm>> -> memref<5605376xf32, #tpu.memory_space<hbm>>
    tpu.enqueue_indirect_dma source(%dma_start3A_50 : memref<5605376xf32, #tpu.memory_space<hbm>>) target(%dma_start3A_45 : memref<80xf32, #tpu.memory_space<vmem>>) offsets(%dma_start3A_48 : memref<80xi32, #tpu.memory_space<vmem>>) semaphore(%arg12 : memref<!tpu.dma_semaphore, #tpu.memory_space<semaphore_mem>>)
    %dma_start3A_51 = arith.constant 6 : i32
    %dma_start3A_52 = arith.constant 480 : i32
    %dma_start3A_53 = tpu.memref_slice %arg8[%dma_start3A_52] : memref<800xf32, #tpu.memory_space<vmem>> -> memref<80xf32, #tpu.memory_space<vmem>>
    %dma_start3A_54 = arith.constant 0 : i32
    %dma_start3A_55 = tpu.memref_slice %arg6[%dma_start3A_51, %dma_start3A_54] : memref<10x80xi32, #tpu.memory_space<vmem>> -> memref<1x80xi32, #tpu.memory_space<vmem>>
    %dma_start3A_56 = tpu.memref_squeeze %dma_start3A_55 : memref<1x80xi32, #tpu.memory_space<vmem>> -> memref<80xi32, #tpu.memory_space<vmem>>
    %dma_start3A_57 = arith.constant 0 : i32
    %dma_start3A_58 = tpu.memref_slice %arg3[%dma_start3A_57] : memref<5605376xf32, #tpu.memory_space<hbm>> -> memref<5605376xf32, #tpu.memory_space<hbm>>
    tpu.enqueue_indirect_dma source(%dma_start3A_58 : memref<5605376xf32, #tpu.memory_space<hbm>>) target(%dma_start3A_53 : memref<80xf32, #tpu.memory_space<vmem>>) offsets(%dma_start3A_56 : memref<80xi32, #tpu.memory_space<vmem>>) semaphore(%arg12 : memref<!tpu.dma_semaphore, #tpu.memory_space<semaphore_mem>>)
    %dma_start3A_59 = arith.constant 7 : i32
    %dma_start3A_60 = arith.constant 560 : i32
    %dma_start3A_61 = tpu.memref_slice %arg8[%dma_start3A_60] : memref<800xf32, #tpu.memory_space<vmem>> -> memref<80xf32, #tpu.memory_space<vmem>>
    %dma_start3A_62 = arith.constant 0 : i32
    %dma_start3A_63 = tpu.memref_slice %arg6[%dma_start3A_59, %dma_start3A_62] : memref<10x80xi32, #tpu.memory_space<vmem>> -> memref<1x80xi32, #tpu.memory_space<vmem>>
    %dma_start3A_64 = tpu.memref_squeeze %dma_start3A_63 : memref<1x80xi32, #tpu.memory_space<vmem>> -> memref<80xi32, #tpu.memory_space<vmem>>
    %dma_start3A_65 = arith.constant 0 : i32
    %dma_start3A_66 = tpu.memref_slice %arg3[%dma_start3A_65] : memref<5605376xf32, #tpu.memory_space<hbm>> -> memref<5605376xf32, #tpu.memory_space<hbm>>
    tpu.enqueue_indirect_dma source(%dma_start3A_66 : memref<5605376xf32, #tpu.memory_space<hbm>>) target(%dma_start3A_61 : memref<80xf32, #tpu.memory_space<vmem>>) offsets(%dma_start3A_64 : memref<80xi32, #tpu.memory_space<vmem>>) semaphore(%arg12 : memref<!tpu.dma_semaphore, #tpu.memory_space<semaphore_mem>>)
    %dma_start3A_67 = arith.constant 8 : i32
    %dma_start3A_68 = arith.constant 640 : i32
    %dma_start3A_69 = tpu.memref_slice %arg8[%dma_start3A_68] : memref<800xf32, #tpu.memory_space<vmem>> -> memref<80xf32, #tpu.memory_space<vmem>>
    %dma_start3A_70 = arith.constant 0 : i32
    %dma_start3A_71 = tpu.memref_slice %arg6[%dma_start3A_67, %dma_start3A_70] : memref<10x80xi32, #tpu.memory_space<vmem>> -> memref<1x80xi32, #tpu.memory_space<vmem>>
    %dma_start3A_72 = tpu.memref_squeeze %dma_start3A_71 : memref<1x80xi32, #tpu.memory_space<vmem>> -> memref<80xi32, #tpu.memory_space<vmem>>
    %dma_start3A_73 = arith.constant 0 : i32
    %dma_start3A_74 = tpu.memref_slice %arg3[%dma_start3A_73] : memref<5605376xf32, #tpu.memory_space<hbm>> -> memref<5605376xf32, #tpu.memory_space<hbm>>
    tpu.enqueue_indirect_dma source(%dma_start3A_74 : memref<5605376xf32, #tpu.memory_space<hbm>>) target(%dma_start3A_69 : memref<80xf32, #tpu.memory_space<vmem>>) offsets(%dma_start3A_72 : memref<80xi32, #tpu.memory_space<vmem>>) semaphore(%arg12 : memref<!tpu.dma_semaphore, #tpu.memory_space<semaphore_mem>>)
    %dma_start3A_75 = arith.constant 9 : i32
    %dma_start3A_76 = arith.constant 720 : i32
    %dma_start3A_77 = tpu.memref_slice %arg8[%dma_start3A_76] : memref<800xf32, #tpu.memory_space<vmem>> -> memref<80xf32, #tpu.memory_space<vmem>>
    %dma_start3A_78 = arith.constant 0 : i32
    %dma_start3A_79 = tpu.memref_slice %arg6[%dma_start3A_75, %dma_start3A_78] : memref<10x80xi32, #tpu.memory_space<vmem>> -> memref<1x80xi32, #tpu.memory_space<vmem>>
    %dma_start3A_80 = tpu.memref_squeeze %dma_start3A_79 : memref<1x80xi32, #tpu.memory_space<vmem>> -> memref<80xi32, #tpu.memory_space<vmem>>
    %dma_start3A_81 = arith.constant 0 : i32
    %dma_start3A_82 = tpu.memref_slice %arg3[%dma_start3A_81] : memref<5605376xf32, #tpu.memory_space<hbm>> -> memref<5605376xf32, #tpu.memory_space<hbm>>
    tpu.enqueue_indirect_dma source(%dma_start3A_82 : memref<5605376xf32, #tpu.memory_space<hbm>>) target(%dma_start3A_77 : memref<80xf32, #tpu.memory_space<vmem>>) offsets(%dma_start3A_80 : memref<80xi32, #tpu.memory_space<vmem>>) semaphore(%arg12 : memref<!tpu.dma_semaphore, #tpu.memory_space<semaphore_mem>>)
    %scan3A = arith.constant 0 : i32
    %scan3A_83 = arith.constant 0 : i32
    %scan3A_84 = arith.constant 4 : i32
    %scan3A_85 = arith.addi %scan3A_83, %scan3A_84 : i32
    %scan3A_86 = arith.constant 1 : i32
    %scan3A_87 = scf.for %scan3A_91 = %scan3A_83 to %scan3A_85 step %scan3A_86 iter_args(%scan3A_92 = %scan3A) -> (i32)  : i32 {
      %mul3A_93 = arith.constant 2 : i32
      %mul3A_94 = arith.muli %scan3A_91, %mul3A_93 : i32
      %add3A_95 = arith.addi %mul3A_2, %mul3A_94 : i32
      %add3A_96 = arith.constant 1 : i32
      %add3A_97 = arith.addi %add3A_95, %add3A_96 : i32
      "tpu.region"() ({
        %run_scoped3A = tpu.sem_alloc : memref<!tpu.dma_semaphore, #tpu.memory_space<semaphore_mem>>
        %dma_start3A_499 = arith.constant 0 : i32
        %dma_start3A_500 = arith.constant 0 : i32
        %dma_start3A_501 = tpu.memref_slice %arg2[%add3A_97, %dma_start3A_499, %dma_start3A_500] : memref<256x10x80xi32, #tpu.memory_space<hbm>> -> memref<1x10x80xi32, #tpu.memory_space<hbm>>
        %dma_start3A_502 = tpu.memref_squeeze %dma_start3A_501 : memref<1x10x80xi32, #tpu.memory_space<hbm>> -> memref<10x80xi32, #tpu.memory_space<hbm>>
        %dma_start3A_503 = arith.constant 0 : i32
        %dma_start3A_504 = arith.constant 0 : i32
        %dma_start3A_505 = tpu.memref_slice %arg2[%add3A_97, %dma_start3A_503, %dma_start3A_504] : memref<256x10x80xi32, #tpu.memory_space<hbm>> -> memref<1x10x80xi32, #tpu.memory_space<hbm>>
        %dma_start3A_506 = tpu.memref_squeeze %dma_start3A_505 : memref<1x10x80xi32, #tpu.memory_space<hbm>> -> memref<10x80xi32, #tpu.memory_space<hbm>>
        tpu.enqueue_dma source(%dma_start3A_506 : memref<10x80xi32, #tpu.memory_space<hbm>>) target(%arg7 : memref<10x80xi32, #tpu.memory_space<vmem>>) target_semaphore(%run_scoped3A : memref<!tpu.dma_semaphore, #tpu.memory_space<semaphore_mem>>)
        %dma_wait3A_507 = arith.constant 0 : i32
        %dma_wait3A_508 = arith.constant 0 : i32
        %dma_wait3A_509 = tpu.memref_slice %arg2[%add3A_97, %dma_wait3A_507, %dma_wait3A_508] : memref<256x10x80xi32, #tpu.memory_space<hbm>> -> memref<1x10x80xi32, #tpu.memory_space<hbm>>
        %dma_wait3A_510 = tpu.memref_squeeze %dma_wait3A_509 : memref<1x10x80xi32, #tpu.memory_space<hbm>> -> memref<10x80xi32, #tpu.memory_space<hbm>>
        %dma_wait3A_511 = arith.constant 0 : i32
        %dma_wait3A_512 = arith.constant 0 : i32
        %dma_wait3A_513 = tpu.memref_slice %arg2[%add3A_97, %dma_wait3A_511, %dma_wait3A_512] : memref<256x10x80xi32, #tpu.memory_space<hbm>> -> memref<1x10x80xi32, #tpu.memory_space<hbm>>
        %dma_wait3A_514 = tpu.memref_squeeze %dma_wait3A_513 : memref<1x10x80xi32, #tpu.memory_space<hbm>> -> memref<10x80xi32, #tpu.memory_space<hbm>>
        tpu.wait_dma2 semaphore(%run_scoped3A : memref<!tpu.dma_semaphore, #tpu.memory_space<semaphore_mem>>) src(%dma_wait3A_514 : memref<10x80xi32, #tpu.memory_space<hbm>>) dst(%arg7 : memref<10x80xi32, #tpu.memory_space<vmem>>)
        tpu.yield
      }) : () -> ()
      %dma_start3A_98 = arith.constant 0 : i32
      %dma_start3A_99 = arith.constant 0 : i32
      %dma_start3A_100 = tpu.memref_slice %arg9[%dma_start3A_99] : memref<800xf32, #tpu.memory_space<vmem>> -> memref<80xf32, #tpu.memory_space<vmem>>
      %dma_start3A_101 = arith.constant 0 : i32
      %dma_start3A_102 = tpu.memref_slice %arg7[%dma_start3A_98, %dma_start3A_101] : memref<10x80xi32, #tpu.memory_space<vmem>> -> memref<1x80xi32, #tpu.memory_space<vmem>>
      %dma_start3A_103 = tpu.memref_squeeze %dma_start3A_102 : memref<1x80xi32, #tpu.memory_space<vmem>> -> memref<80xi32, #tpu.memory_space<vmem>>
      %dma_start3A_104 = arith.constant 0 : i32
      %dma_start3A_105 = tpu.memref_slice %arg3[%dma_start3A_104] : memref<5605376xf32, #tpu.memory_space<hbm>> -> memref<5605376xf32, #tpu.memory_space<hbm>>
      tpu.enqueue_indirect_dma source(%dma_start3A_105 : memref<5605376xf32, #tpu.memory_space<hbm>>) target(%dma_start3A_100 : memref<80xf32, #tpu.memory_space<vmem>>) offsets(%dma_start3A_103 : memref<80xi32, #tpu.memory_space<vmem>>) semaphore(%arg13 : memref<!tpu.dma_semaphore, #tpu.memory_space<semaphore_mem>>)
      %dma_start3A_106 = arith.constant 1 : i32
      %dma_start3A_107 = arith.constant 80 : i32
      %dma_start3A_108 = tpu.memref_slice %arg9[%dma_start3A_107] : memref<800xf32, #tpu.memory_space<vmem>> -> memref<80xf32, #tpu.memory_space<vmem>>
      %dma_start3A_109 = arith.constant 0 : i32
      %dma_start3A_110 = tpu.memref_slice %arg7[%dma_start3A_106, %dma_start3A_109] : memref<10x80xi32, #tpu.memory_space<vmem>> -> memref<1x80xi32, #tpu.memory_space<vmem>>
      %dma_start3A_111 = tpu.memref_squeeze %dma_start3A_110 : memref<1x80xi32, #tpu.memory_space<vmem>> -> memref<80xi32, #tpu.memory_space<vmem>>
      %dma_start3A_112 = arith.constant 0 : i32
      %dma_start3A_113 = tpu.memref_slice %arg3[%dma_start3A_112] : memref<5605376xf32, #tpu.memory_space<hbm>> -> memref<5605376xf32, #tpu.memory_space<hbm>>
      tpu.enqueue_indirect_dma source(%dma_start3A_113 : memref<5605376xf32, #tpu.memory_space<hbm>>) target(%dma_start3A_108 : memref<80xf32, #tpu.memory_space<vmem>>) offsets(%dma_start3A_111 : memref<80xi32, #tpu.memory_space<vmem>>) semaphore(%arg13 : memref<!tpu.dma_semaphore, #tpu.memory_space<semaphore_mem>>)
      %dma_start3A_114 = arith.constant 2 : i32
      %dma_start3A_115 = arith.constant 160 : i32
      %dma_start3A_116 = tpu.memref_slice %arg9[%dma_start3A_115] : memref<800xf32, #tpu.memory_space<vmem>> -> memref<80xf32, #tpu.memory_space<vmem>>
      %dma_start3A_117 = arith.constant 0 : i32
      %dma_start3A_118 = tpu.memref_slice %arg7[%dma_start3A_114, %dma_start3A_117] : memref<10x80xi32, #tpu.memory_space<vmem>> -> memref<1x80xi32, #tpu.memory_space<vmem>>
      %dma_start3A_119 = tpu.memref_squeeze %dma_start3A_118 : memref<1x80xi32, #tpu.memory_space<vmem>> -> memref<80xi32, #tpu.memory_space<vmem>>
      %dma_start3A_120 = arith.constant 0 : i32
      %dma_start3A_121 = tpu.memref_slice %arg3[%dma_start3A_120] : memref<5605376xf32, #tpu.memory_space<hbm>> -> memref<5605376xf32, #tpu.memory_space<hbm>>
      tpu.enqueue_indirect_dma source(%dma_start3A_121 : memref<5605376xf32, #tpu.memory_space<hbm>>) target(%dma_start3A_116 : memref<80xf32, #tpu.memory_space<vmem>>) offsets(%dma_start3A_119 : memref<80xi32, #tpu.memory_space<vmem>>) semaphore(%arg13 : memref<!tpu.dma_semaphore, #tpu.memory_space<semaphore_mem>>)
      %dma_start3A_122 = arith.constant 3 : i32
      %dma_start3A_123 = arith.constant 240 : i32
      %dma_start3A_124 = tpu.memref_slice %arg9[%dma_start3A_123] : memref<800xf32, #tpu.memory_space<vmem>> -> memref<80xf32, #tpu.memory_space<vmem>>
      %dma_start3A_125 = arith.constant 0 : i32
      %dma_start3A_126 = tpu.memref_slice %arg7[%dma_start3A_122, %dma_start3A_125] : memref<10x80xi32, #tpu.memory_space<vmem>> -> memref<1x80xi32, #tpu.memory_space<vmem>>
      %dma_start3A_127 = tpu.memref_squeeze %dma_start3A_126 : memref<1x80xi32, #tpu.memory_space<vmem>> -> memref<80xi32, #tpu.memory_space<vmem>>
      %dma_start3A_128 = arith.constant 0 : i32
      %dma_start3A_129 = tpu.memref_slice %arg3[%dma_start3A_128] : memref<5605376xf32, #tpu.memory_space<hbm>> -> memref<5605376xf32, #tpu.memory_space<hbm>>
      tpu.enqueue_indirect_dma source(%dma_start3A_129 : memref<5605376xf32, #tpu.memory_space<hbm>>) target(%dma_start3A_124 : memref<80xf32, #tpu.memory_space<vmem>>) offsets(%dma_start3A_127 : memref<80xi32, #tpu.memory_space<vmem>>) semaphore(%arg13 : memref<!tpu.dma_semaphore, #tpu.memory_space<semaphore_mem>>)
      %dma_start3A_130 = arith.constant 4 : i32
      %dma_start3A_131 = arith.constant 320 : i32
      %dma_start3A_132 = tpu.memref_slice %arg9[%dma_start3A_131] : memref<800xf32, #tpu.memory_space<vmem>> -> memref<80xf32, #tpu.memory_space<vmem>>
      %dma_start3A_133 = arith.constant 0 : i32
      %dma_start3A_134 = tpu.memref_slice %arg7[%dma_start3A_130, %dma_start3A_133] : memref<10x80xi32, #tpu.memory_space<vmem>> -> memref<1x80xi32, #tpu.memory_space<vmem>>
      %dma_start3A_135 = tpu.memref_squeeze %dma_start3A_134 : memref<1x80xi32, #tpu.memory_space<vmem>> -> memref<80xi32, #tpu.memory_space<vmem>>
      %dma_start3A_136 = arith.constant 0 : i32
      %dma_start3A_137 = tpu.memref_slice %arg3[%dma_start3A_136] : memref<5605376xf32, #tpu.memory_space<hbm>> -> memref<5605376xf32, #tpu.memory_space<hbm>>
      tpu.enqueue_indirect_dma source(%dma_start3A_137 : memref<5605376xf32, #tpu.memory_space<hbm>>) target(%dma_start3A_132 : memref<80xf32, #tpu.memory_space<vmem>>) offsets(%dma_start3A_135 : memref<80xi32, #tpu.memory_space<vmem>>) semaphore(%arg13 : memref<!tpu.dma_semaphore, #tpu.memory_space<semaphore_mem>>)
      %dma_start3A_138 = arith.constant 5 : i32
      %dma_start3A_139 = arith.constant 400 : i32
      %dma_start3A_140 = tpu.memref_slice %arg9[%dma_start3A_139] : memref<800xf32, #tpu.memory_space<vmem>> -> memref<80xf32, #tpu.memory_space<vmem>>
      %dma_start3A_141 = arith.constant 0 : i32
      %dma_start3A_142 = tpu.memref_slice %arg7[%dma_start3A_138, %dma_start3A_141] : memref<10x80xi32, #tpu.memory_space<vmem>> -> memref<1x80xi32, #tpu.memory_space<vmem>>
      %dma_start3A_143 = tpu.memref_squeeze %dma_start3A_142 : memref<1x80xi32, #tpu.memory_space<vmem>> -> memref<80xi32, #tpu.memory_space<vmem>>
      %dma_start3A_144 = arith.constant 0 : i32
      %dma_start3A_145 = tpu.memref_slice %arg3[%dma_start3A_144] : memref<5605376xf32, #tpu.memory_space<hbm>> -> memref<5605376xf32, #tpu.memory_space<hbm>>
      tpu.enqueue_indirect_dma source(%dma_start3A_145 : memref<5605376xf32, #tpu.memory_space<hbm>>) target(%dma_start3A_140 : memref<80xf32, #tpu.memory_space<vmem>>) offsets(%dma_start3A_143 : memref<80xi32, #tpu.memory_space<vmem>>) semaphore(%arg13 : memref<!tpu.dma_semaphore, #tpu.memory_space<semaphore_mem>>)
      %dma_start3A_146 = arith.constant 6 : i32
      %dma_start3A_147 = arith.constant 480 : i32
      %dma_start3A_148 = tpu.memref_slice %arg9[%dma_start3A_147] : memref<800xf32, #tpu.memory_space<vmem>> -> memref<80xf32, #tpu.memory_space<vmem>>
      %dma_start3A_149 = arith.constant 0 : i32
      %dma_start3A_150 = tpu.memref_slice %arg7[%dma_start3A_146, %dma_start3A_149] : memref<10x80xi32, #tpu.memory_space<vmem>> -> memref<1x80xi32, #tpu.memory_space<vmem>>
      %dma_start3A_151 = tpu.memref_squeeze %dma_start3A_150 : memref<1x80xi32, #tpu.memory_space<vmem>> -> memref<80xi32, #tpu.memory_space<vmem>>
      %dma_start3A_152 = arith.constant 0 : i32
      %dma_start3A_153 = tpu.memref_slice %arg3[%dma_start3A_152] : memref<5605376xf32, #tpu.memory_space<hbm>> -> memref<5605376xf32, #tpu.memory_space<hbm>>
      tpu.enqueue_indirect_dma source(%dma_start3A_153 : memref<5605376xf32, #tpu.memory_space<hbm>>) target(%dma_start3A_148 : memref<80xf32, #tpu.memory_space<vmem>>) offsets(%dma_start3A_151 : memref<80xi32, #tpu.memory_space<vmem>>) semaphore(%arg13 : memref<!tpu.dma_semaphore, #tpu.memory_space<semaphore_mem>>)
      %dma_start3A_154 = arith.constant 7 : i32
      %dma_start3A_155 = arith.constant 560 : i32
      %dma_start3A_156 = tpu.memref_slice %arg9[%dma_start3A_155] : memref<800xf32, #tpu.memory_space<vmem>> -> memref<80xf32, #tpu.memory_space<vmem>>
      %dma_start3A_157 = arith.constant 0 : i32
      %dma_start3A_158 = tpu.memref_slice %arg7[%dma_start3A_154, %dma_start3A_157] : memref<10x80xi32, #tpu.memory_space<vmem>> -> memref<1x80xi32, #tpu.memory_space<vmem>>
      %dma_start3A_159 = tpu.memref_squeeze %dma_start3A_158 : memref<1x80xi32, #tpu.memory_space<vmem>> -> memref<80xi32, #tpu.memory_space<vmem>>
      %dma_start3A_160 = arith.constant 0 : i32
      %dma_start3A_161 = tpu.memref_slice %arg3[%dma_start3A_160] : memref<5605376xf32, #tpu.memory_space<hbm>> -> memref<5605376xf32, #tpu.memory_space<hbm>>
      tpu.enqueue_indirect_dma source(%dma_start3A_161 : memref<5605376xf32, #tpu.memory_space<hbm>>) target(%dma_start3A_156 : memref<80xf32, #tpu.memory_space<vmem>>) offsets(%dma_start3A_159 : memref<80xi32, #tpu.memory_space<vmem>>) semaphore(%arg13 : memref<!tpu.dma_semaphore, #tpu.memory_space<semaphore_mem>>)
      %dma_start3A_162 = arith.constant 8 : i32
      %dma_start3A_163 = arith.constant 640 : i32
      %dma_start3A_164 = tpu.memref_slice %arg9[%dma_start3A_163] : memref<800xf32, #tpu.memory_space<vmem>> -> memref<80xf32, #tpu.memory_space<vmem>>
      %dma_start3A_165 = arith.constant 0 : i32
      %dma_start3A_166 = tpu.memref_slice %arg7[%dma_start3A_162, %dma_start3A_165] : memref<10x80xi32, #tpu.memory_space<vmem>> -> memref<1x80xi32, #tpu.memory_space<vmem>>
      %dma_start3A_167 = tpu.memref_squeeze %dma_start3A_166 : memref<1x80xi32, #tpu.memory_space<vmem>> -> memref<80xi32, #tpu.memory_space<vmem>>
      %dma_start3A_168 = arith.constant 0 : i32
      %dma_start3A_169 = tpu.memref_slice %arg3[%dma_start3A_168] : memref<5605376xf32, #tpu.memory_space<hbm>> -> memref<5605376xf32, #tpu.memory_space<hbm>>
      tpu.enqueue_indirect_dma source(%dma_start3A_169 : memref<5605376xf32, #tpu.memory_space<hbm>>) target(%dma_start3A_164 : memref<80xf32, #tpu.memory_space<vmem>>) offsets(%dma_start3A_167 : memref<80xi32, #tpu.memory_space<vmem>>) semaphore(%arg13 : memref<!tpu.dma_semaphore, #tpu.memory_space<semaphore_mem>>)
      %dma_start3A_170 = arith.constant 9 : i32
      %dma_start3A_171 = arith.constant 720 : i32
      %dma_start3A_172 = tpu.memref_slice %arg9[%dma_start3A_171] : memref<800xf32, #tpu.memory_space<vmem>> -> memref<80xf32, #tpu.memory_space<vmem>>
      %dma_start3A_173 = arith.constant 0 : i32
      %dma_start3A_174 = tpu.memref_slice %arg7[%dma_start3A_170, %dma_start3A_173] : memref<10x80xi32, #tpu.memory_space<vmem>> -> memref<1x80xi32, #tpu.memory_space<vmem>>
      %dma_start3A_175 = tpu.memref_squeeze %dma_start3A_174 : memref<1x80xi32, #tpu.memory_space<vmem>> -> memref<80xi32, #tpu.memory_space<vmem>>
      %dma_start3A_176 = arith.constant 0 : i32
      %dma_start3A_177 = tpu.memref_slice %arg3[%dma_start3A_176] : memref<5605376xf32, #tpu.memory_space<hbm>> -> memref<5605376xf32, #tpu.memory_space<hbm>>
      tpu.enqueue_indirect_dma source(%dma_start3A_177 : memref<5605376xf32, #tpu.memory_space<hbm>>) target(%dma_start3A_172 : memref<80xf32, #tpu.memory_space<vmem>>) offsets(%dma_start3A_175 : memref<80xi32, #tpu.memory_space<vmem>>) semaphore(%arg13 : memref<!tpu.dma_semaphore, #tpu.memory_space<semaphore_mem>>)
      %dma_wait3A = arith.constant 0 : i32
      %dma_wait3A_178 = tpu.memref_slice %arg3[%dma_wait3A] : memref<5605376xf32, #tpu.memory_space<hbm>> -> memref<800xf32, #tpu.memory_space<hbm>>
      %dma_wait3A_179 = arith.constant 0 : i32
      %dma_wait3A_180 = tpu.memref_slice %arg3[%dma_wait3A_179] : memref<5605376xf32, #tpu.memory_space<hbm>> -> memref<800xf32, #tpu.memory_space<hbm>>
      tpu.wait_dma2 semaphore(%arg12 : memref<!tpu.dma_semaphore, #tpu.memory_space<semaphore_mem>>) src(%dma_wait3A_180 : memref<800xf32, #tpu.memory_space<hbm>>) dst(%arg8 : memref<800xf32, #tpu.memory_space<vmem>>)
      %get3A_181 = arith.constant 0 : index
      %get3A_182 = tpu.vector_load %arg8[%get3A_181] {strides = array<i32>} : memref<800xf32, #tpu.memory_space<vmem>>, vector<16xf32>,
      %add3A_183 = arith.addf %get3A_3, %get3A_182 : vector<16xf32>
      %get3A_184 = arith.constant 16 : index
      %get3A_185 = tpu.vector_load %arg8[%get3A_184] {strides = array<i32>} : memref<800xf32, #tpu.memory_space<vmem>>, vector<16xf32>,
      %add3A_186 = arith.addf %add3A_183, %get3A_185 : vector<16xf32>
      %get3A_187 = arith.constant 32 : index
      %get3A_188 = tpu.vector_load %arg8[%get3A_187] {strides = array<i32>} : memref<800xf32, #tpu.memory_space<vmem>>, vector<16xf32>,
      %add3A_189 = arith.addf %add3A_186, %get3A_188 : vector<16xf32>
      %get3A_190 = arith.constant 48 : index
      %get3A_191 = tpu.vector_load %arg8[%get3A_190] {strides = array<i32>} : memref<800xf32, #tpu.memory_space<vmem>>, vector<16xf32>,
      %add3A_192 = arith.addf %add3A_189, %get3A_191 : vector<16xf32>
      %get3A_193 = arith.constant 64 : index
      %get3A_194 = tpu.vector_load %arg8[%get3A_193] {strides = array<i32>} : memref<800xf32, #tpu.memory_space<vmem>>, vector<16xf32>,
      %add3A_195 = arith.addf %add3A_192, %get3A_194 : vector<16xf32>
      %get3A_196 = arith.constant 80 : index
      %get3A_197 = tpu.vector_load %arg8[%get3A_196] {strides = array<i32>} : memref<800xf32, #tpu.memory_space<vmem>>, vector<16xf32>,
      %add3A_198 = arith.addf %add3A_195, %get3A_197 : vector<16xf32>
      %get3A_199 = arith.constant 96 : index
      %get3A_200 = tpu.vector_load %arg8[%get3A_199] {strides = array<i32>} : memref<800xf32, #tpu.memory_space<vmem>>, vector<16xf32>,
      %add3A_201 = arith.addf %add3A_198, %get3A_200 : vector<16xf32>
      %get3A_202 = arith.constant 112 : index
      %get3A_203 = tpu.vector_load %arg8[%get3A_202] {strides = array<i32>} : memref<800xf32, #tpu.memory_space<vmem>>, vector<16xf32>,
      %add3A_204 = arith.addf %add3A_201, %get3A_203 : vector<16xf32>
      %get3A_205 = arith.constant 128 : index
      %get3A_206 = tpu.vector_load %arg8[%get3A_205] {strides = array<i32>} : memref<800xf32, #tpu.memory_space<vmem>>, vector<16xf32>,
      %add3A_207 = arith.addf %add3A_204, %get3A_206 : vector<16xf32>
      %get3A_208 = arith.constant 144 : index
      %get3A_209 = tpu.vector_load %arg8[%get3A_208] {strides = array<i32>} : memref<800xf32, #tpu.memory_space<vmem>>, vector<16xf32>,
      %add3A_210 = arith.addf %add3A_207, %get3A_209 : vector<16xf32>
      %get3A_211 = arith.constant 160 : index
      %get3A_212 = tpu.vector_load %arg8[%get3A_211] {strides = array<i32>} : memref<800xf32, #tpu.memory_space<vmem>>, vector<16xf32>,
      %add3A_213 = arith.addf %add3A_210, %get3A_212 : vector<16xf32>
      %get3A_214 = arith.constant 176 : index
      %get3A_215 = tpu.vector_load %arg8[%get3A_214] {strides = array<i32>} : memref<800xf32, #tpu.memory_space<vmem>>, vector<16xf32>,
      %add3A_216 = arith.addf %add3A_213, %get3A_215 : vector<16xf32>
      %get3A_217 = arith.constant 192 : index
      %get3A_218 = tpu.vector_load %arg8[%get3A_217] {strides = array<i32>} : memref<800xf32, #tpu.memory_space<vmem>>, vector<16xf32>,
      %add3A_219 = arith.addf %add3A_216, %get3A_218 : vector<16xf32>
      %get3A_220 = arith.constant 208 : index
      %get3A_221 = tpu.vector_load %arg8[%get3A_220] {strides = array<i32>} : memref<800xf32, #tpu.memory_space<vmem>>, vector<16xf32>,
      %add3A_222 = arith.addf %add3A_219, %get3A_221 : vector<16xf32>
      %get3A_223 = arith.constant 224 : index
      %get3A_224 = tpu.vector_load %arg8[%get3A_223] {strides = array<i32>} : memref<800xf32, #tpu.memory_space<vmem>>, vector<16xf32>,
      %add3A_225 = arith.addf %add3A_222, %get3A_224 : vector<16xf32>
      %get3A_226 = arith.constant 240 : index
      %get3A_227 = tpu.vector_load %arg8[%get3A_226] {strides = array<i32>} : memref<800xf32, #tpu.memory_space<vmem>>, vector<16xf32>,
      %add3A_228 = arith.addf %add3A_225, %get3A_227 : vector<16xf32>
      %get3A_229 = arith.constant 256 : index
      %get3A_230 = tpu.vector_load %arg8[%get3A_229] {strides = array<i32>} : memref<800xf32, #tpu.memory_space<vmem>>, vector<16xf32>,
      %add3A_231 = arith.addf %add3A_228, %get3A_230 : vector<16xf32>
      %get3A_232 = arith.constant 272 : index
      %get3A_233 = tpu.vector_load %arg8[%get3A_232] {strides = array<i32>} : memref<800xf32, #tpu.memory_space<vmem>>, vector<16xf32>,
      %add3A_234 = arith.addf %add3A_231, %get3A_233 : vector<16xf32>
      %get3A_235 = arith.constant 288 : index
      %get3A_236 = tpu.vector_load %arg8[%get3A_235] {strides = array<i32>} : memref<800xf32, #tpu.memory_space<vmem>>, vector<16xf32>,
      %add3A_237 = arith.addf %add3A_234, %get3A_236 : vector<16xf32>
      %get3A_238 = arith.constant 304 : index
      %get3A_239 = tpu.vector_load %arg8[%get3A_238] {strides = array<i32>} : memref<800xf32, #tpu.memory_space<vmem>>, vector<16xf32>,
      %add3A_240 = arith.addf %add3A_237, %get3A_239 : vector<16xf32>
      %get3A_241 = arith.constant 320 : index
      %get3A_242 = tpu.vector_load %arg8[%get3A_241] {strides = array<i32>} : memref<800xf32, #tpu.memory_space<vmem>>, vector<16xf32>,
      %add3A_243 = arith.addf %add3A_240, %get3A_242 : vector<16xf32>
      %get3A_244 = arith.constant 336 : index
      %get3A_245 = tpu.vector_load %arg8[%get3A_244] {strides = array<i32>} : memref<800xf32, #tpu.memory_space<vmem>>, vector<16xf32>,
      %add3A_246 = arith.addf %add3A_243, %get3A_245 : vector<16xf32>
      %get3A_247 = arith.constant 352 : index
      %get3A_248 = tpu.vector_load %arg8[%get3A_247] {strides = array<i32>} : memref<800xf32, #tpu.memory_space<vmem>>, vector<16xf32>,
      %add3A_249 = arith.addf %add3A_246, %get3A_248 : vector<16xf32>
      %get3A_250 = arith.constant 368 : index
      %get3A_251 = tpu.vector_load %arg8[%get3A_250] {strides = array<i32>} : memref<800xf32, #tpu.memory_space<vmem>>, vector<16xf32>,
      %add3A_252 = arith.addf %add3A_249, %get3A_251 : vector<16xf32>
      %get3A_253 = arith.constant 384 : index
      %get3A_254 = tpu.vector_load %arg8[%get3A_253] {strides = array<i32>} : memref<800xf32, #tpu.memory_space<vmem>>, vector<16xf32>,
      %add3A_255 = arith.addf %add3A_252, %get3A_254 : vector<16xf32>
      %get3A_256 = arith.constant 400 : index
      %get3A_257 = tpu.vector_load %arg8[%get3A_256] {strides = array<i32>} : memref<800xf32, #tpu.memory_space<vmem>>, vector<16xf32>,
      %add3A_258 = arith.addf %add3A_255, %get3A_257 : vector<16xf32>
      %get3A_259 = arith.constant 416 : index
      %get3A_260 = tpu.vector_load %arg8[%get3A_259] {strides = array<i32>} : memref<800xf32, #tpu.memory_space<vmem>>, vector<16xf32>,
      %add3A_261 = arith.addf %add3A_258, %get3A_260 : vector<16xf32>
      %get3A_262 = arith.constant 432 : index
      %get3A_263 = tpu.vector_load %arg8[%get3A_262] {strides = array<i32>} : memref<800xf32, #tpu.memory_space<vmem>>, vector<16xf32>,
      %add3A_264 = arith.addf %add3A_261, %get3A_263 : vector<16xf32>
      %get3A_265 = arith.constant 448 : index
      %get3A_266 = tpu.vector_load %arg8[%get3A_265] {strides = array<i32>} : memref<800xf32, #tpu.memory_space<vmem>>, vector<16xf32>,
      %add3A_267 = arith.addf %add3A_264, %get3A_266 : vector<16xf32>
      %get3A_268 = arith.constant 464 : index
      %get3A_269 = tpu.vector_load %arg8[%get3A_268] {strides = array<i32>} : memref<800xf32, #tpu.memory_space<vmem>>, vector<16xf32>,
      %add3A_270 = arith.addf %add3A_267, %get3A_269 : vector<16xf32>
      %get3A_271 = arith.constant 480 : index
      %get3A_272 = tpu.vector_load %arg8[%get3A_271] {strides = array<i32>} : memref<800xf32, #tpu.memory_space<vmem>>, vector<16xf32>,
      %add3A_273 = arith.addf %add3A_270, %get3A_272 : vector<16xf32>
      %get3A_274 = arith.constant 496 : index
      %get3A_275 = tpu.vector_load %arg8[%get3A_274] {strides = array<i32>} : memref<800xf32, #tpu.memory_space<vmem>>, vector<16xf32>,
      %add3A_276 = arith.addf %add3A_273, %get3A_275 : vector<16xf32>
      %get3A_277 = arith.constant 512 : index
      %get3A_278 = tpu.vector_load %arg8[%get3A_277] {strides = array<i32>} : memref<800xf32, #tpu.memory_space<vmem>>, vector<16xf32>,
      %add3A_279 = arith.addf %add3A_276, %get3A_278 : vector<16xf32>
      %get3A_280 = arith.constant 528 : index
      %get3A_281 = tpu.vector_load %arg8[%get3A_280] {strides = array<i32>} : memref<800xf32, #tpu.memory_space<vmem>>, vector<16xf32>,
      %add3A_282 = arith.addf %add3A_279, %get3A_281 : vector<16xf32>
      %get3A_283 = arith.constant 544 : index
      %get3A_284 = tpu.vector_load %arg8[%get3A_283] {strides = array<i32>} : memref<800xf32, #tpu.memory_space<vmem>>, vector<16xf32>,
      %add3A_285 = arith.addf %add3A_282, %get3A_284 : vector<16xf32>
      %get3A_286 = arith.constant 560 : index
      %get3A_287 = tpu.vector_load %arg8[%get3A_286] {strides = array<i32>} : memref<800xf32, #tpu.memory_space<vmem>>, vector<16xf32>,
      %add3A_288 = arith.addf %add3A_285, %get3A_287 : vector<16xf32>
      %get3A_289 = arith.constant 576 : index
      %get3A_290 = tpu.vector_load %arg8[%get3A_289] {strides = array<i32>} : memref<800xf32, #tpu.memory_space<vmem>>, vector<16xf32>,
      %add3A_291 = arith.addf %add3A_288, %get3A_290 : vector<16xf32>
      %get3A_292 = arith.constant 592 : index
      %get3A_293 = tpu.vector_load %arg8[%get3A_292] {strides = array<i32>} : memref<800xf32, #tpu.memory_space<vmem>>, vector<16xf32>,
      %add3A_294 = arith.addf %add3A_291, %get3A_293 : vector<16xf32>
      %get3A_295 = arith.constant 608 : index
      %get3A_296 = tpu.vector_load %arg8[%get3A_295] {strides = array<i32>} : memref<800xf32, #tpu.memory_space<vmem>>, vector<16xf32>,
      %add3A_297 = arith.addf %add3A_294, %get3A_296 : vector<16xf32>
      %get3A_298 = arith.constant 624 : index
      %get3A_299 = tpu.vector_load %arg8[%get3A_298] {strides = array<i32>} : memref<800xf32, #tpu.memory_space<vmem>>, vector<16xf32>,
      %add3A_300 = arith.addf %add3A_297, %get3A_299 : vector<16xf32>
      %get3A_301 = arith.constant 640 : index
      %get3A_302 = tpu.vector_load %arg8[%get3A_301] {strides = array<i32>} : memref<800xf32, #tpu.memory_space<vmem>>, vector<16xf32>,
      %add3A_303 = arith.addf %add3A_300, %get3A_302 : vector<16xf32>
      %get3A_304 = arith.constant 656 : index
      %get3A_305 = tpu.vector_load %arg8[%get3A_304] {strides = array<i32>} : memref<800xf32, #tpu.memory_space<vmem>>, vector<16xf32>,
      %add3A_306 = arith.addf %add3A_303, %get3A_305 : vector<16xf32>
      %get3A_307 = arith.constant 672 : index
      %get3A_308 = tpu.vector_load %arg8[%get3A_307] {strides = array<i32>} : memref<800xf32, #tpu.memory_space<vmem>>, vector<16xf32>,
      %add3A_309 = arith.addf %add3A_306, %get3A_308 : vector<16xf32>
      %get3A_310 = arith.constant 688 : index
      %get3A_311 = tpu.vector_load %arg8[%get3A_310] {strides = array<i32>} : memref<800xf32, #tpu.memory_space<vmem>>, vector<16xf32>,
      %add3A_312 = arith.addf %add3A_309, %get3A_311 : vector<16xf32>
      %get3A_313 = arith.constant 704 : index
      %get3A_314 = tpu.vector_load %arg8[%get3A_313] {strides = array<i32>} : memref<800xf32, #tpu.memory_space<vmem>>, vector<16xf32>,
      %add3A_315 = arith.addf %add3A_312, %get3A_314 : vector<16xf32>
      %get3A_316 = arith.constant 720 : index
      %get3A_317 = tpu.vector_load %arg8[%get3A_316] {strides = array<i32>} : memref<800xf32, #tpu.memory_space<vmem>>, vector<16xf32>,
      %add3A_318 = arith.addf %add3A_315, %get3A_317 : vector<16xf32>
      %get3A_319 = arith.constant 736 : index
      %get3A_320 = tpu.vector_load %arg8[%get3A_319] {strides = array<i32>} : memref<800xf32, #tpu.memory_space<vmem>>, vector<16xf32>,
      %add3A_321 = arith.addf %add3A_318, %get3A_320 : vector<16xf32>
      %get3A_322 = arith.constant 752 : index
      %get3A_323 = tpu.vector_load %arg8[%get3A_322] {strides = array<i32>} : memref<800xf32, #tpu.memory_space<vmem>>, vector<16xf32>,
      %add3A_324 = arith.addf %add3A_321, %get3A_323 : vector<16xf32>
      %get3A_325 = arith.constant 768 : index
      %get3A_326 = tpu.vector_load %arg8[%get3A_325] {strides = array<i32>} : memref<800xf32, #tpu.memory_space<vmem>>, vector<16xf32>,
      %add3A_327 = arith.addf %add3A_324, %get3A_326 : vector<16xf32>
      %get3A_328 = arith.constant 784 : index
      %get3A_329 = tpu.vector_load %arg8[%get3A_328] {strides = array<i32>} : memref<800xf32, #tpu.memory_space<vmem>>, vector<16xf32>,
      %add3A_330 = arith.addf %add3A_327, %get3A_329 : vector<16xf32>
      %mul3A_331 = arith.constant 16 : i32
      %mul3A_332 = arith.muli %mul3A_94, %mul3A_331 : i32
      %swap3A = arith.index_cast %mul3A_332 : i32 to index
      %swap3A_333 = tpu.vector_load %arg10[%swap3A] {strides = array<i32>} : memref<128xf32, #tpu.memory_space<vmem>>, vector<16xf32>,
      tpu.vector_store %arg10[%swap3A], %add3A_330 {strides = array<i32>} : memref<128xf32, #tpu.memory_space<vmem>>, vector<16xf32>,
      %add3A_334 = arith.constant 2 : i32
      %add3A_335 = arith.addi %mul3A_94, %add3A_334 : i32
      %lt3A = arith.constant 8 : i32
      %lt3A_336 = arith.cmpi slt, %add3A_335, %lt3A : i32
      %convert_element_type3A = arith.extui %lt3A_336 : i1 to i32
      %cond3A = arith.constant 0 : i32
      %cond3A_337 = arith.cmpi ne, %convert_element_type3A, %cond3A : i32
      scf.if %cond3A_337 {
        %add3A_499 = arith.addi %mul3A_2, %mul3A_94 : i32
        %add3A_500 = arith.constant 2 : i32
        %add3A_501 = arith.addi %add3A_499, %add3A_500 : i32
        "tpu.region"() ({
          %run_scoped3A = tpu.sem_alloc : memref<!tpu.dma_semaphore, #tpu.memory_space<semaphore_mem>>
          %dma_start3A_582 = arith.constant 0 : i32
          %dma_start3A_583 = arith.constant 0 : i32
          %dma_start3A_584 = tpu.memref_slice %arg2[%add3A_501, %dma_start3A_582, %dma_start3A_583] : memref<256x10x80xi32, #tpu.memory_space<hbm>> -> memref<1x10x80xi32, #tpu.memory_space<hbm>>
          %dma_start3A_585 = tpu.memref_squeeze %dma_start3A_584 : memref<1x10x80xi32, #tpu.memory_space<hbm>> -> memref<10x80xi32, #tpu.memory_space<hbm>>
          %dma_start3A_586 = arith.constant 0 : i32
          %dma_start3A_587 = arith.constant 0 : i32
          %dma_start3A_588 = tpu.memref_slice %arg2[%add3A_501, %dma_start3A_586, %dma_start3A_587] : memref<256x10x80xi32, #tpu.memory_space<hbm>> -> memref<1x10x80xi32, #tpu.memory_space<hbm>>
          %dma_start3A_589 = tpu.memref_squeeze %dma_start3A_588 : memref<1x10x80xi32, #tpu.memory_space<hbm>> -> memref<10x80xi32, #tpu.memory_space<hbm>>
          tpu.enqueue_dma source(%dma_start3A_589 : memref<10x80xi32, #tpu.memory_space<hbm>>) target(%arg6 : memref<10x80xi32, #tpu.memory_space<vmem>>) target_semaphore(%run_scoped3A : memref<!tpu.dma_semaphore, #tpu.memory_space<semaphore_mem>>)
          %dma_wait3A_590 = arith.constant 0 : i32
          %dma_wait3A_591 = arith.constant 0 : i32
          %dma_wait3A_592 = tpu.memref_slice %arg2[%add3A_501, %dma_wait3A_590, %dma_wait3A_591] : memref<256x10x80xi32, #tpu.memory_space<hbm>> -> memref<1x10x80xi32, #tpu.memory_space<hbm>>
          %dma_wait3A_593 = tpu.memref_squeeze %dma_wait3A_592 : memref<1x10x80xi32, #tpu.memory_space<hbm>> -> memref<10x80xi32, #tpu.memory_space<hbm>>
          %dma_wait3A_594 = arith.constant 0 : i32
          %dma_wait3A_595 = arith.constant 0 : i32
          %dma_wait3A_596 = tpu.memref_slice %arg2[%add3A_501, %dma_wait3A_594, %dma_wait3A_595] : memref<256x10x80xi32, #tpu.memory_space<hbm>> -> memref<1x10x80xi32, #tpu.memory_space<hbm>>
          %dma_wait3A_597 = tpu.memref_squeeze %dma_wait3A_596 : memref<1x10x80xi32, #tpu.memory_space<hbm>> -> memref<10x80xi32, #tpu.memory_space<hbm>>
          tpu.wait_dma2 semaphore(%run_scoped3A : memref<!tpu.dma_semaphore, #tpu.memory_space<semaphore_mem>>) src(%dma_wait3A_597 : memref<10x80xi32, #tpu.memory_space<hbm>>) dst(%arg6 : memref<10x80xi32, #tpu.memory_space<vmem>>)
          tpu.yield
        }) : () -> ()
        %dma_start3A_502 = arith.constant 0 : i32
        %dma_start3A_503 = arith.constant 0 : i32
        %dma_start3A_504 = tpu.memref_slice %arg8[%dma_start3A_503] : memref<800xf32, #tpu.memory_space<vmem>> -> memref<80xf32, #tpu.memory_space<vmem>>
        %dma_start3A_505 = arith.constant 0 : i32
        %dma_start3A_506 = tpu.memref_slice %arg6[%dma_start3A_502, %dma_start3A_505] : memref<10x80xi32, #tpu.memory_space<vmem>> -> memref<1x80xi32, #tpu.memory_space<vmem>>
        %dma_start3A_507 = tpu.memref_squeeze %dma_start3A_506 : memref<1x80xi32, #tpu.memory_space<vmem>> -> memref<80xi32, #tpu.memory_space<vmem>>
        %dma_start3A_508 = arith.constant 0 : i32
        %dma_start3A_509 = tpu.memref_slice %arg3[%dma_start3A_508] : memref<5605376xf32, #tpu.memory_space<hbm>> -> memref<5605376xf32, #tpu.memory_space<hbm>>
        tpu.enqueue_indirect_dma source(%dma_start3A_509 : memref<5605376xf32, #tpu.memory_space<hbm>>) target(%dma_start3A_504 : memref<80xf32, #tpu.memory_space<vmem>>) offsets(%dma_start3A_507 : memref<80xi32, #tpu.memory_space<vmem>>) semaphore(%arg12 : memref<!tpu.dma_semaphore, #tpu.memory_space<semaphore_mem>>)
        %dma_start3A_510 = arith.constant 1 : i32
        %dma_start3A_511 = arith.constant 80 : i32
        %dma_start3A_512 = tpu.memref_slice %arg8[%dma_start3A_511] : memref<800xf32, #tpu.memory_space<vmem>> -> memref<80xf32, #tpu.memory_space<vmem>>
        %dma_start3A_513 = arith.constant 0 : i32
        %dma_start3A_514 = tpu.memref_slice %arg6[%dma_start3A_510, %dma_start3A_513] : memref<10x80xi32, #tpu.memory_space<vmem>> -> memref<1x80xi32, #tpu.memory_space<vmem>>
        %dma_start3A_515 = tpu.memref_squeeze %dma_start3A_514 : memref<1x80xi32, #tpu.memory_space<vmem>> -> memref<80xi32, #tpu.memory_space<vmem>>
        %dma_start3A_516 = arith.constant 0 : i32
        %dma_start3A_517 = tpu.memref_slice %arg3[%dma_start3A_516] : memref<5605376xf32, #tpu.memory_space<hbm>> -> memref<5605376xf32, #tpu.memory_space<hbm>>
        tpu.enqueue_indirect_dma source(%dma_start3A_517 : memref<5605376xf32, #tpu.memory_space<hbm>>) target(%dma_start3A_512 : memref<80xf32, #tpu.memory_space<vmem>>) offsets(%dma_start3A_515 : memref<80xi32, #tpu.memory_space<vmem>>) semaphore(%arg12 : memref<!tpu.dma_semaphore, #tpu.memory_space<semaphore_mem>>)
        %dma_start3A_518 = arith.constant 2 : i32
        %dma_start3A_519 = arith.constant 160 : i32
        %dma_start3A_520 = tpu.memref_slice %arg8[%dma_start3A_519] : memref<800xf32, #tpu.memory_space<vmem>> -> memref<80xf32, #tpu.memory_space<vmem>>
        %dma_start3A_521 = arith.constant 0 : i32
        %dma_start3A_522 = tpu.memref_slice %arg6[%dma_start3A_518, %dma_start3A_521] : memref<10x80xi32, #tpu.memory_space<vmem>> -> memref<1x80xi32, #tpu.memory_space<vmem>>
        %dma_start3A_523 = tpu.memref_squeeze %dma_start3A_522 : memref<1x80xi32, #tpu.memory_space<vmem>> -> memref<80xi32, #tpu.memory_space<vmem>>
        %dma_start3A_524 = arith.constant 0 : i32
        %dma_start3A_525 = tpu.memref_slice %arg3[%dma_start3A_524] : memref<5605376xf32, #tpu.memory_space<hbm>> -> memref<5605376xf32, #tpu.memory_space<hbm>>
        tpu.enqueue_indirect_dma source(%dma_start3A_525 : memref<5605376xf32, #tpu.memory_space<hbm>>) target(%dma_start3A_520 : memref<80xf32, #tpu.memory_space<vmem>>) offsets(%dma_start3A_523 : memref<80xi32, #tpu.memory_space<vmem>>) semaphore(%arg12 : memref<!tpu.dma_semaphore, #tpu.memory_space<semaphore_mem>>)
        %dma_start3A_526 = arith.constant 3 : i32
        %dma_start3A_527 = arith.constant 240 : i32
        %dma_start3A_528 = tpu.memref_slice %arg8[%dma_start3A_527] : memref<800xf32, #tpu.memory_space<vmem>> -> memref<80xf32, #tpu.memory_space<vmem>>
        %dma_start3A_529 = arith.constant 0 : i32
        %dma_start3A_530 = tpu.memref_slice %arg6[%dma_start3A_526, %dma_start3A_529] : memref<10x80xi32, #tpu.memory_space<vmem>> -> memref<1x80xi32, #tpu.memory_space<vmem>>
        %dma_start3A_531 = tpu.memref_squeeze %dma_start3A_530 : memref<1x80xi32, #tpu.memory_space<vmem>> -> memref<80xi32, #tpu.memory_space<vmem>>
        %dma_start3A_532 = arith.constant 0 : i32
        %dma_start3A_533 = tpu.memref_slice %arg3[%dma_start3A_532] : memref<5605376xf32, #tpu.memory_space<hbm>> -> memref<5605376xf32, #tpu.memory_space<hbm>>
        tpu.enqueue_indirect_dma source(%dma_start3A_533 : memref<5605376xf32, #tpu.memory_space<hbm>>) target(%dma_start3A_528 : memref<80xf32, #tpu.memory_space<vmem>>) offsets(%dma_start3A_531 : memref<80xi32, #tpu.memory_space<vmem>>) semaphore(%arg12 : memref<!tpu.dma_semaphore, #tpu.memory_space<semaphore_mem>>)
        %dma_start3A_534 = arith.constant 4 : i32
        %dma_start3A_535 = arith.constant 320 : i32
        %dma_start3A_536 = tpu.memref_slice %arg8[%dma_start3A_535] : memref<800xf32, #tpu.memory_space<vmem>> -> memref<80xf32, #tpu.memory_space<vmem>>
        %dma_start3A_537 = arith.constant 0 : i32
        %dma_start3A_538 = tpu.memref_slice %arg6[%dma_start3A_534, %dma_start3A_537] : memref<10x80xi32, #tpu.memory_space<vmem>> -> memref<1x80xi32, #tpu.memory_space<vmem>>
        %dma_start3A_539 = tpu.memref_squeeze %dma_start3A_538 : memref<1x80xi32, #tpu.memory_space<vmem>> -> memref<80xi32, #tpu.memory_space<vmem>>
        %dma_start3A_540 = arith.constant 0 : i32
        %dma_start3A_541 = tpu.memref_slice %arg3[%dma_start3A_540] : memref<5605376xf32, #tpu.memory_space<hbm>> -> memref<5605376xf32, #tpu.memory_space<hbm>>
        tpu.enqueue_indirect_dma source(%dma_start3A_541 : memref<5605376xf32, #tpu.memory_space<hbm>>) target(%dma_start3A_536 : memref<80xf32, #tpu.memory_space<vmem>>) offsets(%dma_start3A_539 : memref<80xi32, #tpu.memory_space<vmem>>) semaphore(%arg12 : memref<!tpu.dma_semaphore, #tpu.memory_space<semaphore_mem>>)
        %dma_start3A_542 = arith.constant 5 : i32
        %dma_start3A_543 = arith.constant 400 : i32
        %dma_start3A_544 = tpu.memref_slice %arg8[%dma_start3A_543] : memref<800xf32, #tpu.memory_space<vmem>> -> memref<80xf32, #tpu.memory_space<vmem>>
        %dma_start3A_545 = arith.constant 0 : i32
        %dma_start3A_546 = tpu.memref_slice %arg6[%dma_start3A_542, %dma_start3A_545] : memref<10x80xi32, #tpu.memory_space<vmem>> -> memref<1x80xi32, #tpu.memory_space<vmem>>
        %dma_start3A_547 = tpu.memref_squeeze %dma_start3A_546 : memref<1x80xi32, #tpu.memory_space<vmem>> -> memref<80xi32, #tpu.memory_space<vmem>>
        %dma_start3A_548 = arith.constant 0 : i32
        %dma_start3A_549 = tpu.memref_slice %arg3[%dma_start3A_548] : memref<5605376xf32, #tpu.memory_space<hbm>> -> memref<5605376xf32, #tpu.memory_space<hbm>>
        tpu.enqueue_indirect_dma source(%dma_start3A_549 : memref<5605376xf32, #tpu.memory_space<hbm>>) target(%dma_start3A_544 : memref<80xf32, #tpu.memory_space<vmem>>) offsets(%dma_start3A_547 : memref<80xi32, #tpu.memory_space<vmem>>) semaphore(%arg12 : memref<!tpu.dma_semaphore, #tpu.memory_space<semaphore_mem>>)
        %dma_start3A_550 = arith.constant 6 : i32
        %dma_start3A_551 = arith.constant 480 : i32
        %dma_start3A_552 = tpu.memref_slice %arg8[%dma_start3A_551] : memref<800xf32, #tpu.memory_space<vmem>> -> memref<80xf32, #tpu.memory_space<vmem>>
        %dma_start3A_553 = arith.constant 0 : i32
        %dma_start3A_554 = tpu.memref_slice %arg6[%dma_start3A_550, %dma_start3A_553] : memref<10x80xi32, #tpu.memory_space<vmem>> -> memref<1x80xi32, #tpu.memory_space<vmem>>
        %dma_start3A_555 = tpu.memref_squeeze %dma_start3A_554 : memref<1x80xi32, #tpu.memory_space<vmem>> -> memref<80xi32, #tpu.memory_space<vmem>>
        %dma_start3A_556 = arith.constant 0 : i32
        %dma_start3A_557 = tpu.memref_slice %arg3[%dma_start3A_556] : memref<5605376xf32, #tpu.memory_space<hbm>> -> memref<5605376xf32, #tpu.memory_space<hbm>>
        tpu.enqueue_indirect_dma source(%dma_start3A_557 : memref<5605376xf32, #tpu.memory_space<hbm>>) target(%dma_start3A_552 : memref<80xf32, #tpu.memory_space<vmem>>) offsets(%dma_start3A_555 : memref<80xi32, #tpu.memory_space<vmem>>) semaphore(%arg12 : memref<!tpu.dma_semaphore, #tpu.memory_space<semaphore_mem>>)
        %dma_start3A_558 = arith.constant 7 : i32
        %dma_start3A_559 = arith.constant 560 : i32
        %dma_start3A_560 = tpu.memref_slice %arg8[%dma_start3A_559] : memref<800xf32, #tpu.memory_space<vmem>> -> memref<80xf32, #tpu.memory_space<vmem>>
        %dma_start3A_561 = arith.constant 0 : i32
        %dma_start3A_562 = tpu.memref_slice %arg6[%dma_start3A_558, %dma_start3A_561] : memref<10x80xi32, #tpu.memory_space<vmem>> -> memref<1x80xi32, #tpu.memory_space<vmem>>
        %dma_start3A_563 = tpu.memref_squeeze %dma_start3A_562 : memref<1x80xi32, #tpu.memory_space<vmem>> -> memref<80xi32, #tpu.memory_space<vmem>>
        %dma_start3A_564 = arith.constant 0 : i32
        %dma_start3A_565 = tpu.memref_slice %arg3[%dma_start3A_564] : memref<5605376xf32, #tpu.memory_space<hbm>> -> memref<5605376xf32, #tpu.memory_space<hbm>>
        tpu.enqueue_indirect_dma source(%dma_start3A_565 : memref<5605376xf32, #tpu.memory_space<hbm>>) target(%dma_start3A_560 : memref<80xf32, #tpu.memory_space<vmem>>) offsets(%dma_start3A_563 : memref<80xi32, #tpu.memory_space<vmem>>) semaphore(%arg12 : memref<!tpu.dma_semaphore, #tpu.memory_space<semaphore_mem>>)
        %dma_start3A_566 = arith.constant 8 : i32
        %dma_start3A_567 = arith.constant 640 : i32
        %dma_start3A_568 = tpu.memref_slice %arg8[%dma_start3A_567] : memref<800xf32, #tpu.memory_space<vmem>> -> memref<80xf32, #tpu.memory_space<vmem>>
        %dma_start3A_569 = arith.constant 0 : i32
        %dma_start3A_570 = tpu.memref_slice %arg6[%dma_start3A_566, %dma_start3A_569] : memref<10x80xi32, #tpu.memory_space<vmem>> -> memref<1x80xi32, #tpu.memory_space<vmem>>
        %dma_start3A_571 = tpu.memref_squeeze %dma_start3A_570 : memref<1x80xi32, #tpu.memory_space<vmem>> -> memref<80xi32, #tpu.memory_space<vmem>>
        %dma_start3A_572 = arith.constant 0 : i32
        %dma_start3A_573 = tpu.memref_slice %arg3[%dma_start3A_572] : memref<5605376xf32, #tpu.memory_space<hbm>> -> memref<5605376xf32, #tpu.memory_space<hbm>>
        tpu.enqueue_indirect_dma source(%dma_start3A_573 : memref<5605376xf32, #tpu.memory_space<hbm>>) target(%dma_start3A_568 : memref<80xf32, #tpu.memory_space<vmem>>) offsets(%dma_start3A_571 : memref<80xi32, #tpu.memory_space<vmem>>) semaphore(%arg12 : memref<!tpu.dma_semaphore, #tpu.memory_space<semaphore_mem>>)
        %dma_start3A_574 = arith.constant 9 : i32
        %dma_start3A_575 = arith.constant 720 : i32
        %dma_start3A_576 = tpu.memref_slice %arg8[%dma_start3A_575] : memref<800xf32, #tpu.memory_space<vmem>> -> memref<80xf32, #tpu.memory_space<vmem>>
        %dma_start3A_577 = arith.constant 0 : i32
        %dma_start3A_578 = tpu.memref_slice %arg6[%dma_start3A_574, %dma_start3A_577] : memref<10x80xi32, #tpu.memory_space<vmem>> -> memref<1x80xi32, #tpu.memory_space<vmem>>
        %dma_start3A_579 = tpu.memref_squeeze %dma_start3A_578 : memref<1x80xi32, #tpu.memory_space<vmem>> -> memref<80xi32, #tpu.memory_space<vmem>>
        %dma_start3A_580 = arith.constant 0 : i32
        %dma_start3A_581 = tpu.memref_slice %arg3[%dma_start3A_580] : memref<5605376xf32, #tpu.memory_space<hbm>> -> memref<5605376xf32, #tpu.memory_space<hbm>>
        tpu.enqueue_indirect_dma source(%dma_start3A_581 : memref<5605376xf32, #tpu.memory_space<hbm>>) target(%dma_start3A_576 : memref<80xf32, #tpu.memory_space<vmem>>) offsets(%dma_start3A_579 : memref<80xi32, #tpu.memory_space<vmem>>) semaphore(%arg12 : memref<!tpu.dma_semaphore, #tpu.memory_space<semaphore_mem>>)
      } else {
      }
      %dma_wait3A_338 = arith.constant 0 : i32
      %dma_wait3A_339 = tpu.memref_slice %arg3[%dma_wait3A_338] : memref<5605376xf32, #tpu.memory_space<hbm>> -> memref<800xf32, #tpu.memory_space<hbm>>
      %dma_wait3A_340 = arith.constant 0 : i32
      %dma_wait3A_341 = tpu.memref_slice %arg3[%dma_wait3A_340] : memref<5605376xf32, #tpu.memory_space<hbm>> -> memref<800xf32, #tpu.memory_space<hbm>>
      tpu.wait_dma2 semaphore(%arg13 : memref<!tpu.dma_semaphore, #tpu.memory_space<semaphore_mem>>) src(%dma_wait3A_341 : memref<800xf32, #tpu.memory_space<hbm>>) dst(%arg9 : memref<800xf32, #tpu.memory_space<vmem>>)
      %add3A_342 = arith.constant 1 : i32
      %add3A_343 = arith.addi %mul3A_94, %add3A_342 : i32
      %get3A_344 = arith.constant 0 : index
      %get3A_345 = tpu.vector_load %arg9[%get3A_344] {strides = array<i32>} : memref<800xf32, #tpu.memory_space<vmem>>, vector<16xf32>,
      %add3A_346 = arith.addf %get3A_3, %get3A_345 : vector<16xf32>
      %get3A_347 = arith.constant 16 : index
      %get3A_348 = tpu.vector_load %arg9[%get3A_347] {strides = array<i32>} : memref<800xf32, #tpu.memory_space<vmem>>, vector<16xf32>,
      %add3A_349 = arith.addf %add3A_346, %get3A_348 : vector<16xf32>
      %get3A_350 = arith.constant 32 : index
      %get3A_351 = tpu.vector_load %arg9[%get3A_350] {strides = array<i32>} : memref<800xf32, #tpu.memory_space<vmem>>, vector<16xf32>,
      %add3A_352 = arith.addf %add3A_349, %get3A_351 : vector<16xf32>
      %get3A_353 = arith.constant 48 : index
      %get3A_354 = tpu.vector_load %arg9[%get3A_353] {strides = array<i32>} : memref<800xf32, #tpu.memory_space<vmem>>, vector<16xf32>,
      %add3A_355 = arith.addf %add3A_352, %get3A_354 : vector<16xf32>
      %get3A_356 = arith.constant 64 : index
      %get3A_357 = tpu.vector_load %arg9[%get3A_356] {strides = array<i32>} : memref<800xf32, #tpu.memory_space<vmem>>, vector<16xf32>,
      %add3A_358 = arith.addf %add3A_355, %get3A_357 : vector<16xf32>
      %get3A_359 = arith.constant 80 : index
      %get3A_360 = tpu.vector_load %arg9[%get3A_359] {strides = array<i32>} : memref<800xf32, #tpu.memory_space<vmem>>, vector<16xf32>,
      %add3A_361 = arith.addf %add3A_358, %get3A_360 : vector<16xf32>
      %get3A_362 = arith.constant 96 : index
      %get3A_363 = tpu.vector_load %arg9[%get3A_362] {strides = array<i32>} : memref<800xf32, #tpu.memory_space<vmem>>, vector<16xf32>,
      %add3A_364 = arith.addf %add3A_361, %get3A_363 : vector<16xf32>
      %get3A_365 = arith.constant 112 : index
      %get3A_366 = tpu.vector_load %arg9[%get3A_365] {strides = array<i32>} : memref<800xf32, #tpu.memory_space<vmem>>, vector<16xf32>,
      %add3A_367 = arith.addf %add3A_364, %get3A_366 : vector<16xf32>
      %get3A_368 = arith.constant 128 : index
      %get3A_369 = tpu.vector_load %arg9[%get3A_368] {strides = array<i32>} : memref<800xf32, #tpu.memory_space<vmem>>, vector<16xf32>,
      %add3A_370 = arith.addf %add3A_367, %get3A_369 : vector<16xf32>
      %get3A_371 = arith.constant 144 : index
      %get3A_372 = tpu.vector_load %arg9[%get3A_371] {strides = array<i32>} : memref<800xf32, #tpu.memory_space<vmem>>, vector<16xf32>,
      %add3A_373 = arith.addf %add3A_370, %get3A_372 : vector<16xf32>
      %get3A_374 = arith.constant 160 : index
      %get3A_375 = tpu.vector_load %arg9[%get3A_374] {strides = array<i32>} : memref<800xf32, #tpu.memory_space<vmem>>, vector<16xf32>,
      %add3A_376 = arith.addf %add3A_373, %get3A_375 : vector<16xf32>
      %get3A_377 = arith.constant 176 : index
      %get3A_378 = tpu.vector_load %arg9[%get3A_377] {strides = array<i32>} : memref<800xf32, #tpu.memory_space<vmem>>, vector<16xf32>,
      %add3A_379 = arith.addf %add3A_376, %get3A_378 : vector<16xf32>
      %get3A_380 = arith.constant 192 : index
      %get3A_381 = tpu.vector_load %arg9[%get3A_380] {strides = array<i32>} : memref<800xf32, #tpu.memory_space<vmem>>, vector<16xf32>,
      %add3A_382 = arith.addf %add3A_379, %get3A_381 : vector<16xf32>
      %get3A_383 = arith.constant 208 : index
      %get3A_384 = tpu.vector_load %arg9[%get3A_383] {strides = array<i32>} : memref<800xf32, #tpu.memory_space<vmem>>, vector<16xf32>,
      %add3A_385 = arith.addf %add3A_382, %get3A_384 : vector<16xf32>
      %get3A_386 = arith.constant 224 : index
      %get3A_387 = tpu.vector_load %arg9[%get3A_386] {strides = array<i32>} : memref<800xf32, #tpu.memory_space<vmem>>, vector<16xf32>,
      %add3A_388 = arith.addf %add3A_385, %get3A_387 : vector<16xf32>
      %get3A_389 = arith.constant 240 : index
      %get3A_390 = tpu.vector_load %arg9[%get3A_389] {strides = array<i32>} : memref<800xf32, #tpu.memory_space<vmem>>, vector<16xf32>,
      %add3A_391 = arith.addf %add3A_388, %get3A_390 : vector<16xf32>
      %get3A_392 = arith.constant 256 : index
      %get3A_393 = tpu.vector_load %arg9[%get3A_392] {strides = array<i32>} : memref<800xf32, #tpu.memory_space<vmem>>, vector<16xf32>,
      %add3A_394 = arith.addf %add3A_391, %get3A_393 : vector<16xf32>
      %get3A_395 = arith.constant 272 : index
      %get3A_396 = tpu.vector_load %arg9[%get3A_395] {strides = array<i32>} : memref<800xf32, #tpu.memory_space<vmem>>, vector<16xf32>,
      %add3A_397 = arith.addf %add3A_394, %get3A_396 : vector<16xf32>
      %get3A_398 = arith.constant 288 : index
      %get3A_399 = tpu.vector_load %arg9[%get3A_398] {strides = array<i32>} : memref<800xf32, #tpu.memory_space<vmem>>, vector<16xf32>,
      %add3A_400 = arith.addf %add3A_397, %get3A_399 : vector<16xf32>
      %get3A_401 = arith.constant 304 : index
      %get3A_402 = tpu.vector_load %arg9[%get3A_401] {strides = array<i32>} : memref<800xf32, #tpu.memory_space<vmem>>, vector<16xf32>,
      %add3A_403 = arith.addf %add3A_400, %get3A_402 : vector<16xf32>
      %get3A_404 = arith.constant 320 : index
      %get3A_405 = tpu.vector_load %arg9[%get3A_404] {strides = array<i32>} : memref<800xf32, #tpu.memory_space<vmem>>, vector<16xf32>,
      %add3A_406 = arith.addf %add3A_403, %get3A_405 : vector<16xf32>
      %get3A_407 = arith.constant 336 : index
      %get3A_408 = tpu.vector_load %arg9[%get3A_407] {strides = array<i32>} : memref<800xf32, #tpu.memory_space<vmem>>, vector<16xf32>,
      %add3A_409 = arith.addf %add3A_406, %get3A_408 : vector<16xf32>
      %get3A_410 = arith.constant 352 : index
      %get3A_411 = tpu.vector_load %arg9[%get3A_410] {strides = array<i32>} : memref<800xf32, #tpu.memory_space<vmem>>, vector<16xf32>,
      %add3A_412 = arith.addf %add3A_409, %get3A_411 : vector<16xf32>
      %get3A_413 = arith.constant 368 : index
      %get3A_414 = tpu.vector_load %arg9[%get3A_413] {strides = array<i32>} : memref<800xf32, #tpu.memory_space<vmem>>, vector<16xf32>,
      %add3A_415 = arith.addf %add3A_412, %get3A_414 : vector<16xf32>
      %get3A_416 = arith.constant 384 : index
      %get3A_417 = tpu.vector_load %arg9[%get3A_416] {strides = array<i32>} : memref<800xf32, #tpu.memory_space<vmem>>, vector<16xf32>,
      %add3A_418 = arith.addf %add3A_415, %get3A_417 : vector<16xf32>
      %get3A_419 = arith.constant 400 : index
      %get3A_420 = tpu.vector_load %arg9[%get3A_419] {strides = array<i32>} : memref<800xf32, #tpu.memory_space<vmem>>, vector<16xf32>,
      %add3A_421 = arith.addf %add3A_418, %get3A_420 : vector<16xf32>
      %get3A_422 = arith.constant 416 : index
      %get3A_423 = tpu.vector_load %arg9[%get3A_422] {strides = array<i32>} : memref<800xf32, #tpu.memory_space<vmem>>, vector<16xf32>,
      %add3A_424 = arith.addf %add3A_421, %get3A_423 : vector<16xf32>
      %get3A_425 = arith.constant 432 : index
      %get3A_426 = tpu.vector_load %arg9[%get3A_425] {strides = array<i32>} : memref<800xf32, #tpu.memory_space<vmem>>, vector<16xf32>,
      %add3A_427 = arith.addf %add3A_424, %get3A_426 : vector<16xf32>
      %get3A_428 = arith.constant 448 : index
      %get3A_429 = tpu.vector_load %arg9[%get3A_428] {strides = array<i32>} : memref<800xf32, #tpu.memory_space<vmem>>, vector<16xf32>,
      %add3A_430 = arith.addf %add3A_427, %get3A_429 : vector<16xf32>
      %get3A_431 = arith.constant 464 : index
      %get3A_432 = tpu.vector_load %arg9[%get3A_431] {strides = array<i32>} : memref<800xf32, #tpu.memory_space<vmem>>, vector<16xf32>,
      %add3A_433 = arith.addf %add3A_430, %get3A_432 : vector<16xf32>
      %get3A_434 = arith.constant 480 : index
      %get3A_435 = tpu.vector_load %arg9[%get3A_434] {strides = array<i32>} : memref<800xf32, #tpu.memory_space<vmem>>, vector<16xf32>,
      %add3A_436 = arith.addf %add3A_433, %get3A_435 : vector<16xf32>
      %get3A_437 = arith.constant 496 : index
      %get3A_438 = tpu.vector_load %arg9[%get3A_437] {strides = array<i32>} : memref<800xf32, #tpu.memory_space<vmem>>, vector<16xf32>,
      %add3A_439 = arith.addf %add3A_436, %get3A_438 : vector<16xf32>
      %get3A_440 = arith.constant 512 : index
      %get3A_441 = tpu.vector_load %arg9[%get3A_440] {strides = array<i32>} : memref<800xf32, #tpu.memory_space<vmem>>, vector<16xf32>,
      %add3A_442 = arith.addf %add3A_439, %get3A_441 : vector<16xf32>
      %get3A_443 = arith.constant 528 : index
      %get3A_444 = tpu.vector_load %arg9[%get3A_443] {strides = array<i32>} : memref<800xf32, #tpu.memory_space<vmem>>, vector<16xf32>,
      %add3A_445 = arith.addf %add3A_442, %get3A_444 : vector<16xf32>
      %get3A_446 = arith.constant 544 : index
      %get3A_447 = tpu.vector_load %arg9[%get3A_446] {strides = array<i32>} : memref<800xf32, #tpu.memory_space<vmem>>, vector<16xf32>,
      %add3A_448 = arith.addf %add3A_445, %get3A_447 : vector<16xf32>
      %get3A_449 = arith.constant 560 : index
      %get3A_450 = tpu.vector_load %arg9[%get3A_449] {strides = array<i32>} : memref<800xf32, #tpu.memory_space<vmem>>, vector<16xf32>,
      %add3A_451 = arith.addf %add3A_448, %get3A_450 : vector<16xf32>
      %get3A_452 = arith.constant 576 : index
      %get3A_453 = tpu.vector_load %arg9[%get3A_452] {strides = array<i32>} : memref<800xf32, #tpu.memory_space<vmem>>, vector<16xf32>,
      %add3A_454 = arith.addf %add3A_451, %get3A_453 : vector<16xf32>
      %get3A_455 = arith.constant 592 : index
      %get3A_456 = tpu.vector_load %arg9[%get3A_455] {strides = array<i32>} : memref<800xf32, #tpu.memory_space<vmem>>, vector<16xf32>,
      %add3A_457 = arith.addf %add3A_454, %get3A_456 : vector<16xf32>
      %get3A_458 = arith.constant 608 : index
      %get3A_459 = tpu.vector_load %arg9[%get3A_458] {strides = array<i32>} : memref<800xf32, #tpu.memory_space<vmem>>, vector<16xf32>,
      %add3A_460 = arith.addf %add3A_457, %get3A_459 : vector<16xf32>
      %get3A_461 = arith.constant 624 : index
      %get3A_462 = tpu.vector_load %arg9[%get3A_461] {strides = array<i32>} : memref<800xf32, #tpu.memory_space<vmem>>, vector<16xf32>,
      %add3A_463 = arith.addf %add3A_460, %get3A_462 : vector<16xf32>
      %get3A_464 = arith.constant 640 : index
      %get3A_465 = tpu.vector_load %arg9[%get3A_464] {strides = array<i32>} : memref<800xf32, #tpu.memory_space<vmem>>, vector<16xf32>,
      %add3A_466 = arith.addf %add3A_463, %get3A_465 : vector<16xf32>
      %get3A_467 = arith.constant 656 : index
      %get3A_468 = tpu.vector_load %arg9[%get3A_467] {strides = array<i32>} : memref<800xf32, #tpu.memory_space<vmem>>, vector<16xf32>,
      %add3A_469 = arith.addf %add3A_466, %get3A_468 : vector<16xf32>
      %get3A_470 = arith.constant 672 : index
      %get3A_471 = tpu.vector_load %arg9[%get3A_470] {strides = array<i32>} : memref<800xf32, #tpu.memory_space<vmem>>, vector<16xf32>,
      %add3A_472 = arith.addf %add3A_469, %get3A_471 : vector<16xf32>
      %get3A_473 = arith.constant 688 : index
      %get3A_474 = tpu.vector_load %arg9[%get3A_473] {strides = array<i32>} : memref<800xf32, #tpu.memory_space<vmem>>, vector<16xf32>,
      %add3A_475 = arith.addf %add3A_472, %get3A_474 : vector<16xf32>
      %get3A_476 = arith.constant 704 : index
      %get3A_477 = tpu.vector_load %arg9[%get3A_476] {strides = array<i32>} : memref<800xf32, #tpu.memory_space<vmem>>, vector<16xf32>,
      %add3A_478 = arith.addf %add3A_475, %get3A_477 : vector<16xf32>
      %get3A_479 = arith.constant 720 : index
      %get3A_480 = tpu.vector_load %arg9[%get3A_479] {strides = array<i32>} : memref<800xf32, #tpu.memory_space<vmem>>, vector<16xf32>,
      %add3A_481 = arith.addf %add3A_478, %get3A_480 : vector<16xf32>
      %get3A_482 = arith.constant 736 : index
      %get3A_483 = tpu.vector_load %arg9[%get3A_482] {strides = array<i32>} : memref<800xf32, #tpu.memory_space<vmem>>, vector<16xf32>,
      %add3A_484 = arith.addf %add3A_481, %get3A_483 : vector<16xf32>
      %get3A_485 = arith.constant 752 : index
      %get3A_486 = tpu.vector_load %arg9[%get3A_485] {strides = array<i32>} : memref<800xf32, #tpu.memory_space<vmem>>, vector<16xf32>,
      %add3A_487 = arith.addf %add3A_484, %get3A_486 : vector<16xf32>
      %get3A_488 = arith.constant 768 : index
      %get3A_489 = tpu.vector_load %arg9[%get3A_488] {strides = array<i32>} : memref<800xf32, #tpu.memory_space<vmem>>, vector<16xf32>,
      %add3A_490 = arith.addf %add3A_487, %get3A_489 : vector<16xf32>
      %get3A_491 = arith.constant 784 : index
      %get3A_492 = tpu.vector_load %arg9[%get3A_491] {strides = array<i32>} : memref<800xf32, #tpu.memory_space<vmem>>, vector<16xf32>,
      %add3A_493 = arith.addf %add3A_490, %get3A_492 : vector<16xf32>
      %mul3A_494 = arith.constant 16 : i32
      %mul3A_495 = arith.muli %add3A_343, %mul3A_494 : i32
      %swap3A_496 = arith.index_cast %mul3A_495 : i32 to index
      %swap3A_497 = tpu.vector_load %arg10[%swap3A_496] {strides = array<i32>} : memref<128xf32, #tpu.memory_space<vmem>>, vector<16xf32>,
      tpu.vector_store %arg10[%swap3A_496], %add3A_493 {strides = array<i32>} : memref<128xf32, #tpu.memory_space<vmem>>, vector<16xf32>,
      %scan3A_498 = arith.constant 0 : i32
      scf.yield %scan3A_498 : i32
    }
    %scan3A_88 = arith.constant 4 : i32
    %mul3A_89 = arith.constant 128 : i32
    %mul3A_90 = arith.muli %add3A, %mul3A_89 : i32
    "tpu.region"() ({
      %run_scoped3A = tpu.sem_alloc : memref<!tpu.dma_semaphore, #tpu.memory_space<semaphore_mem>>
      %dma_start3A_91 = tpu.memref_slice %arg5[%mul3A_90] : memref<4096xf32, #tpu.memory_space<hbm>> -> memref<128xf32, #tpu.memory_space<hbm>>
      %dma_start3A_92 = tpu.memref_slice %arg5[%mul3A_90] : memref<4096xf32, #tpu.memory_space<hbm>> -> memref<128xf32, #tpu.memory_space<hbm>>
      tpu.enqueue_dma source(%arg10 : memref<128xf32, #tpu.memory_space<vmem>>) target(%dma_start3A_92 : memref<128xf32, #tpu.memory_space<hbm>>) target_semaphore(%run_scoped3A : memref<!tpu.dma_semaphore, #tpu.memory_space<semaphore_mem>>)
      %dma_wait3A = tpu.memref_slice %arg5[%mul3A_90] : memref<4096xf32, #tpu.memory_space<hbm>> -> memref<128xf32, #tpu.memory_space<hbm>>
      %dma_wait3A_93 = tpu.memref_slice %arg5[%mul3A_90] : memref<4096xf32, #tpu.memory_space<hbm>> -> memref<128xf32, #tpu.memory_space<hbm>>
      tpu.wait_dma2 semaphore(%run_scoped3A : memref<!tpu.dma_semaphore, #tpu.memory_space<semaphore_mem>>) src(%arg10 : memref<128xf32, #tpu.memory_space<vmem>>) dst(%dma_wait3A_93 : memref<128xf32, #tpu.memory_space<hbm>>)
      tpu.yield
    }) : () -> ()
    return
  }
}

module attributes {stable_mosaic.version = 14 : i64} {
  func.func @_pmat_body(%arg0: i32, %arg1: memref<56x64xf32, #tpu.memory_space<vmem>>, %arg2: memref<64x5888xf32, #tpu.memory_space<vmem>>, %arg3: memref<46x56x128xf32, #tpu.memory_space<vmem>>) attributes {dimension_semantics = [#tpu.dimension_semantics<arbitrary>], iteration_bounds = array<i64: 17>, scalar_prefetch = 0 : i64, scratch_operands = 0 : i64, tpu.core_type = #tpu.core_type<tc>, window_params = [{pipeline_mode = #tpu.pipeline_mode<synchronous>, transform_indices = @transform_0, window_bounds = array<i64: 56, 64>}, {transform_indices = @transform_1, window_bounds = array<i64: 64, 5888>}, {transform_indices = @transform_2, window_bounds = array<i64: 46, 56, 128>}]} {
    %get3A = arith.constant 0 : index
    %get3A_0 = arith.constant 0 : index
    %get3A_1 = vector.load %arg1[%get3A, %get3A_0] : memref<56x64xf32, #tpu.memory_space<vmem>>, vector<56x64xf32>
    %get3A_2 = arith.constant 0 : index
    %get3A_3 = arith.constant 0 : index
    %get3A_4 = vector.load %arg2[%get3A_2, %get3A_3] : memref<64x5888xf32, #tpu.memory_space<vmem>>, vector<64x5888xf32>
    %dot_general3A = arith.constant dense<0.000000e+00> : vector<56x5888xf32>
    %dot_general3A_5 = tpu.matmul %get3A_1, %get3A_4, %dot_general3A {dimension_numbers = #tpu.dot_dimension_numbers<[1], [0], [0], [1], [0, 0, 1, 1], [], []>, transpose_lhs_hint = false} : vector<56x64xf32>, vector<64x5888xf32>, vector<56x5888xf32> -> vector<56x5888xf32>
    %slice3A = vector.extract_strided_slice %dot_general3A_5 {offsets = [0, 0], sizes = [56, 128], strides = [1, 1]} : vector<56x5888xf32> to vector<56x128xf32>
    %swap3A = arith.constant 0 : index
    %swap3A_6 = arith.constant 0 : index
    %swap3A_7 = arith.constant 0 : index
    %swap3A_8 = vector.load %arg3[%swap3A, %swap3A_6, %swap3A_7] : memref<46x56x128xf32, #tpu.memory_space<vmem>>, vector<1x56x128xf32>
    %swap3A_9 = vector.shape_cast %swap3A_8 : vector<1x56x128xf32> to vector<56x128xf32>
    %swap3A_10 = vector.shape_cast %slice3A : vector<56x128xf32> to vector<1x56x128xf32>
    tpu.vector_store %arg3[%swap3A, %swap3A_6, %swap3A_7], %swap3A_10 {strides = array<i32>} : memref<46x56x128xf32, #tpu.memory_space<vmem>>, vector<1x56x128xf32>,
    %slice3A_11 = vector.extract_strided_slice %dot_general3A_5 {offsets = [0, 128], sizes = [56, 128], strides = [1, 1]} : vector<56x5888xf32> to vector<56x128xf32>
    %swap3A_12 = arith.constant 1 : index
    %swap3A_13 = arith.constant 0 : index
    %swap3A_14 = arith.constant 0 : index
    %swap3A_15 = vector.load %arg3[%swap3A_12, %swap3A_13, %swap3A_14] : memref<46x56x128xf32, #tpu.memory_space<vmem>>, vector<1x56x128xf32>
    %swap3A_16 = vector.shape_cast %swap3A_15 : vector<1x56x128xf32> to vector<56x128xf32>
    %swap3A_17 = vector.shape_cast %slice3A_11 : vector<56x128xf32> to vector<1x56x128xf32>
    tpu.vector_store %arg3[%swap3A_12, %swap3A_13, %swap3A_14], %swap3A_17 {strides = array<i32>} : memref<46x56x128xf32, #tpu.memory_space<vmem>>, vector<1x56x128xf32>,
    %slice3A_18 = vector.extract_strided_slice %dot_general3A_5 {offsets = [0, 256], sizes = [56, 128], strides = [1, 1]} : vector<56x5888xf32> to vector<56x128xf32>
    %swap3A_19 = arith.constant 2 : index
    %swap3A_20 = arith.constant 0 : index
    %swap3A_21 = arith.constant 0 : index
    %swap3A_22 = vector.load %arg3[%swap3A_19, %swap3A_20, %swap3A_21] : memref<46x56x128xf32, #tpu.memory_space<vmem>>, vector<1x56x128xf32>
    %swap3A_23 = vector.shape_cast %swap3A_22 : vector<1x56x128xf32> to vector<56x128xf32>
    %swap3A_24 = vector.shape_cast %slice3A_18 : vector<56x128xf32> to vector<1x56x128xf32>
    tpu.vector_store %arg3[%swap3A_19, %swap3A_20, %swap3A_21], %swap3A_24 {strides = array<i32>} : memref<46x56x128xf32, #tpu.memory_space<vmem>>, vector<1x56x128xf32>,
    %slice3A_25 = vector.extract_strided_slice %dot_general3A_5 {offsets = [0, 384], sizes = [56, 128], strides = [1, 1]} : vector<56x5888xf32> to vector<56x128xf32>
    %swap3A_26 = arith.constant 3 : index
    %swap3A_27 = arith.constant 0 : index
    %swap3A_28 = arith.constant 0 : index
    %swap3A_29 = vector.load %arg3[%swap3A_26, %swap3A_27, %swap3A_28] : memref<46x56x128xf32, #tpu.memory_space<vmem>>, vector<1x56x128xf32>
    %swap3A_30 = vector.shape_cast %swap3A_29 : vector<1x56x128xf32> to vector<56x128xf32>
    %swap3A_31 = vector.shape_cast %slice3A_25 : vector<56x128xf32> to vector<1x56x128xf32>
    tpu.vector_store %arg3[%swap3A_26, %swap3A_27, %swap3A_28], %swap3A_31 {strides = array<i32>} : memref<46x56x128xf32, #tpu.memory_space<vmem>>, vector<1x56x128xf32>,
    %slice3A_32 = vector.extract_strided_slice %dot_general3A_5 {offsets = [0, 512], sizes = [56, 128], strides = [1, 1]} : vector<56x5888xf32> to vector<56x128xf32>
    %swap3A_33 = arith.constant 4 : index
    %swap3A_34 = arith.constant 0 : index
    %swap3A_35 = arith.constant 0 : index
    %swap3A_36 = vector.load %arg3[%swap3A_33, %swap3A_34, %swap3A_35] : memref<46x56x128xf32, #tpu.memory_space<vmem>>, vector<1x56x128xf32>
    %swap3A_37 = vector.shape_cast %swap3A_36 : vector<1x56x128xf32> to vector<56x128xf32>
    %swap3A_38 = vector.shape_cast %slice3A_32 : vector<56x128xf32> to vector<1x56x128xf32>
    tpu.vector_store %arg3[%swap3A_33, %swap3A_34, %swap3A_35], %swap3A_38 {strides = array<i32>} : memref<46x56x128xf32, #tpu.memory_space<vmem>>, vector<1x56x128xf32>,
    %slice3A_39 = vector.extract_strided_slice %dot_general3A_5 {offsets = [0, 640], sizes = [56, 128], strides = [1, 1]} : vector<56x5888xf32> to vector<56x128xf32>
    %swap3A_40 = arith.constant 5 : index
    %swap3A_41 = arith.constant 0 : index
    %swap3A_42 = arith.constant 0 : index
    %swap3A_43 = vector.load %arg3[%swap3A_40, %swap3A_41, %swap3A_42] : memref<46x56x128xf32, #tpu.memory_space<vmem>>, vector<1x56x128xf32>
    %swap3A_44 = vector.shape_cast %swap3A_43 : vector<1x56x128xf32> to vector<56x128xf32>
    %swap3A_45 = vector.shape_cast %slice3A_39 : vector<56x128xf32> to vector<1x56x128xf32>
    tpu.vector_store %arg3[%swap3A_40, %swap3A_41, %swap3A_42], %swap3A_45 {strides = array<i32>} : memref<46x56x128xf32, #tpu.memory_space<vmem>>, vector<1x56x128xf32>,
    %slice3A_46 = vector.extract_strided_slice %dot_general3A_5 {offsets = [0, 768], sizes = [56, 128], strides = [1, 1]} : vector<56x5888xf32> to vector<56x128xf32>
    %swap3A_47 = arith.constant 6 : index
    %swap3A_48 = arith.constant 0 : index
    %swap3A_49 = arith.constant 0 : index
    %swap3A_50 = vector.load %arg3[%swap3A_47, %swap3A_48, %swap3A_49] : memref<46x56x128xf32, #tpu.memory_space<vmem>>, vector<1x56x128xf32>
    %swap3A_51 = vector.shape_cast %swap3A_50 : vector<1x56x128xf32> to vector<56x128xf32>
    %swap3A_52 = vector.shape_cast %slice3A_46 : vector<56x128xf32> to vector<1x56x128xf32>
    tpu.vector_store %arg3[%swap3A_47, %swap3A_48, %swap3A_49], %swap3A_52 {strides = array<i32>} : memref<46x56x128xf32, #tpu.memory_space<vmem>>, vector<1x56x128xf32>,
    %slice3A_53 = vector.extract_strided_slice %dot_general3A_5 {offsets = [0, 896], sizes = [56, 128], strides = [1, 1]} : vector<56x5888xf32> to vector<56x128xf32>
    %swap3A_54 = arith.constant 7 : index
    %swap3A_55 = arith.constant 0 : index
    %swap3A_56 = arith.constant 0 : index
    %swap3A_57 = vector.load %arg3[%swap3A_54, %swap3A_55, %swap3A_56] : memref<46x56x128xf32, #tpu.memory_space<vmem>>, vector<1x56x128xf32>
    %swap3A_58 = vector.shape_cast %swap3A_57 : vector<1x56x128xf32> to vector<56x128xf32>
    %swap3A_59 = vector.shape_cast %slice3A_53 : vector<56x128xf32> to vector<1x56x128xf32>
    tpu.vector_store %arg3[%swap3A_54, %swap3A_55, %swap3A_56], %swap3A_59 {strides = array<i32>} : memref<46x56x128xf32, #tpu.memory_space<vmem>>, vector<1x56x128xf32>,
    %slice3A_60 = vector.extract_strided_slice %dot_general3A_5 {offsets = [0, 1024], sizes = [56, 128], strides = [1, 1]} : vector<56x5888xf32> to vector<56x128xf32>
    %swap3A_61 = arith.constant 8 : index
    %swap3A_62 = arith.constant 0 : index
    %swap3A_63 = arith.constant 0 : index
    %swap3A_64 = vector.load %arg3[%swap3A_61, %swap3A_62, %swap3A_63] : memref<46x56x128xf32, #tpu.memory_space<vmem>>, vector<1x56x128xf32>
    %swap3A_65 = vector.shape_cast %swap3A_64 : vector<1x56x128xf32> to vector<56x128xf32>
    %swap3A_66 = vector.shape_cast %slice3A_60 : vector<56x128xf32> to vector<1x56x128xf32>
    tpu.vector_store %arg3[%swap3A_61, %swap3A_62, %swap3A_63], %swap3A_66 {strides = array<i32>} : memref<46x56x128xf32, #tpu.memory_space<vmem>>, vector<1x56x128xf32>,
    %slice3A_67 = vector.extract_strided_slice %dot_general3A_5 {offsets = [0, 1152], sizes = [56, 128], strides = [1, 1]} : vector<56x5888xf32> to vector<56x128xf32>
    %swap3A_68 = arith.constant 9 : index
    %swap3A_69 = arith.constant 0 : index
    %swap3A_70 = arith.constant 0 : index
    %swap3A_71 = vector.load %arg3[%swap3A_68, %swap3A_69, %swap3A_70] : memref<46x56x128xf32, #tpu.memory_space<vmem>>, vector<1x56x128xf32>
    %swap3A_72 = vector.shape_cast %swap3A_71 : vector<1x56x128xf32> to vector<56x128xf32>
    %swap3A_73 = vector.shape_cast %slice3A_67 : vector<56x128xf32> to vector<1x56x128xf32>
    tpu.vector_store %arg3[%swap3A_68, %swap3A_69, %swap3A_70], %swap3A_73 {strides = array<i32>} : memref<46x56x128xf32, #tpu.memory_space<vmem>>, vector<1x56x128xf32>,
    %slice3A_74 = vector.extract_strided_slice %dot_general3A_5 {offsets = [0, 1280], sizes = [56, 128], strides = [1, 1]} : vector<56x5888xf32> to vector<56x128xf32>
    %swap3A_75 = arith.constant 10 : index
    %swap3A_76 = arith.constant 0 : index
    %swap3A_77 = arith.constant 0 : index
    %swap3A_78 = vector.load %arg3[%swap3A_75, %swap3A_76, %swap3A_77] : memref<46x56x128xf32, #tpu.memory_space<vmem>>, vector<1x56x128xf32>
    %swap3A_79 = vector.shape_cast %swap3A_78 : vector<1x56x128xf32> to vector<56x128xf32>
    %swap3A_80 = vector.shape_cast %slice3A_74 : vector<56x128xf32> to vector<1x56x128xf32>
    tpu.vector_store %arg3[%swap3A_75, %swap3A_76, %swap3A_77], %swap3A_80 {strides = array<i32>} : memref<46x56x128xf32, #tpu.memory_space<vmem>>, vector<1x56x128xf32>,
    %slice3A_81 = vector.extract_strided_slice %dot_general3A_5 {offsets = [0, 1408], sizes = [56, 128], strides = [1, 1]} : vector<56x5888xf32> to vector<56x128xf32>
    %swap3A_82 = arith.constant 11 : index
    %swap3A_83 = arith.constant 0 : index
    %swap3A_84 = arith.constant 0 : index
    %swap3A_85 = vector.load %arg3[%swap3A_82, %swap3A_83, %swap3A_84] : memref<46x56x128xf32, #tpu.memory_space<vmem>>, vector<1x56x128xf32>
    %swap3A_86 = vector.shape_cast %swap3A_85 : vector<1x56x128xf32> to vector<56x128xf32>
    %swap3A_87 = vector.shape_cast %slice3A_81 : vector<56x128xf32> to vector<1x56x128xf32>
    tpu.vector_store %arg3[%swap3A_82, %swap3A_83, %swap3A_84], %swap3A_87 {strides = array<i32>} : memref<46x56x128xf32, #tpu.memory_space<vmem>>, vector<1x56x128xf32>,
    %slice3A_88 = vector.extract_strided_slice %dot_general3A_5 {offsets = [0, 1536], sizes = [56, 128], strides = [1, 1]} : vector<56x5888xf32> to vector<56x128xf32>
    %swap3A_89 = arith.constant 12 : index
    %swap3A_90 = arith.constant 0 : index
    %swap3A_91 = arith.constant 0 : index
    %swap3A_92 = vector.load %arg3[%swap3A_89, %swap3A_90, %swap3A_91] : memref<46x56x128xf32, #tpu.memory_space<vmem>>, vector<1x56x128xf32>
    %swap3A_93 = vector.shape_cast %swap3A_92 : vector<1x56x128xf32> to vector<56x128xf32>
    %swap3A_94 = vector.shape_cast %slice3A_88 : vector<56x128xf32> to vector<1x56x128xf32>
    tpu.vector_store %arg3[%swap3A_89, %swap3A_90, %swap3A_91], %swap3A_94 {strides = array<i32>} : memref<46x56x128xf32, #tpu.memory_space<vmem>>, vector<1x56x128xf32>,
    %slice3A_95 = vector.extract_strided_slice %dot_general3A_5 {offsets = [0, 1664], sizes = [56, 128], strides = [1, 1]} : vector<56x5888xf32> to vector<56x128xf32>
    %swap3A_96 = arith.constant 13 : index
    %swap3A_97 = arith.constant 0 : index
    %swap3A_98 = arith.constant 0 : index
    %swap3A_99 = vector.load %arg3[%swap3A_96, %swap3A_97, %swap3A_98] : memref<46x56x128xf32, #tpu.memory_space<vmem>>, vector<1x56x128xf32>
    %swap3A_100 = vector.shape_cast %swap3A_99 : vector<1x56x128xf32> to vector<56x128xf32>
    %swap3A_101 = vector.shape_cast %slice3A_95 : vector<56x128xf32> to vector<1x56x128xf32>
    tpu.vector_store %arg3[%swap3A_96, %swap3A_97, %swap3A_98], %swap3A_101 {strides = array<i32>} : memref<46x56x128xf32, #tpu.memory_space<vmem>>, vector<1x56x128xf32>,
    %slice3A_102 = vector.extract_strided_slice %dot_general3A_5 {offsets = [0, 1792], sizes = [56, 128], strides = [1, 1]} : vector<56x5888xf32> to vector<56x128xf32>
    %swap3A_103 = arith.constant 14 : index
    %swap3A_104 = arith.constant 0 : index
    %swap3A_105 = arith.constant 0 : index
    %swap3A_106 = vector.load %arg3[%swap3A_103, %swap3A_104, %swap3A_105] : memref<46x56x128xf32, #tpu.memory_space<vmem>>, vector<1x56x128xf32>
    %swap3A_107 = vector.shape_cast %swap3A_106 : vector<1x56x128xf32> to vector<56x128xf32>
    %swap3A_108 = vector.shape_cast %slice3A_102 : vector<56x128xf32> to vector<1x56x128xf32>
    tpu.vector_store %arg3[%swap3A_103, %swap3A_104, %swap3A_105], %swap3A_108 {strides = array<i32>} : memref<46x56x128xf32, #tpu.memory_space<vmem>>, vector<1x56x128xf32>,
    %slice3A_109 = vector.extract_strided_slice %dot_general3A_5 {offsets = [0, 1920], sizes = [56, 128], strides = [1, 1]} : vector<56x5888xf32> to vector<56x128xf32>
    %swap3A_110 = arith.constant 15 : index
    %swap3A_111 = arith.constant 0 : index
    %swap3A_112 = arith.constant 0 : index
    %swap3A_113 = vector.load %arg3[%swap3A_110, %swap3A_111, %swap3A_112] : memref<46x56x128xf32, #tpu.memory_space<vmem>>, vector<1x56x128xf32>
    %swap3A_114 = vector.shape_cast %swap3A_113 : vector<1x56x128xf32> to vector<56x128xf32>
    %swap3A_115 = vector.shape_cast %slice3A_109 : vector<56x128xf32> to vector<1x56x128xf32>
    tpu.vector_store %arg3[%swap3A_110, %swap3A_111, %swap3A_112], %swap3A_115 {strides = array<i32>} : memref<46x56x128xf32, #tpu.memory_space<vmem>>, vector<1x56x128xf32>,
    %slice3A_116 = vector.extract_strided_slice %dot_general3A_5 {offsets = [0, 2048], sizes = [56, 128], strides = [1, 1]} : vector<56x5888xf32> to vector<56x128xf32>
    %swap3A_117 = arith.constant 16 : index
    %swap3A_118 = arith.constant 0 : index
    %swap3A_119 = arith.constant 0 : index
    %swap3A_120 = vector.load %arg3[%swap3A_117, %swap3A_118, %swap3A_119] : memref<46x56x128xf32, #tpu.memory_space<vmem>>, vector<1x56x128xf32>
    %swap3A_121 = vector.shape_cast %swap3A_120 : vector<1x56x128xf32> to vector<56x128xf32>
    %swap3A_122 = vector.shape_cast %slice3A_116 : vector<56x128xf32> to vector<1x56x128xf32>
    tpu.vector_store %arg3[%swap3A_117, %swap3A_118, %swap3A_119], %swap3A_122 {strides = array<i32>} : memref<46x56x128xf32, #tpu.memory_space<vmem>>, vector<1x56x128xf32>,
    %slice3A_123 = vector.extract_strided_slice %dot_general3A_5 {offsets = [0, 2176], sizes = [56, 128], strides = [1, 1]} : vector<56x5888xf32> to vector<56x128xf32>
    %swap3A_124 = arith.constant 17 : index
    %swap3A_125 = arith.constant 0 : index
    %swap3A_126 = arith.constant 0 : index
    %swap3A_127 = vector.load %arg3[%swap3A_124, %swap3A_125, %swap3A_126] : memref<46x56x128xf32, #tpu.memory_space<vmem>>, vector<1x56x128xf32>
    %swap3A_128 = vector.shape_cast %swap3A_127 : vector<1x56x128xf32> to vector<56x128xf32>
    %swap3A_129 = vector.shape_cast %slice3A_123 : vector<56x128xf32> to vector<1x56x128xf32>
    tpu.vector_store %arg3[%swap3A_124, %swap3A_125, %swap3A_126], %swap3A_129 {strides = array<i32>} : memref<46x56x128xf32, #tpu.memory_space<vmem>>, vector<1x56x128xf32>,
    %slice3A_130 = vector.extract_strided_slice %dot_general3A_5 {offsets = [0, 2304], sizes = [56, 128], strides = [1, 1]} : vector<56x5888xf32> to vector<56x128xf32>
    %swap3A_131 = arith.constant 18 : index
    %swap3A_132 = arith.constant 0 : index
    %swap3A_133 = arith.constant 0 : index
    %swap3A_134 = vector.load %arg3[%swap3A_131, %swap3A_132, %swap3A_133] : memref<46x56x128xf32, #tpu.memory_space<vmem>>, vector<1x56x128xf32>
    %swap3A_135 = vector.shape_cast %swap3A_134 : vector<1x56x128xf32> to vector<56x128xf32>
    %swap3A_136 = vector.shape_cast %slice3A_130 : vector<56x128xf32> to vector<1x56x128xf32>
    tpu.vector_store %arg3[%swap3A_131, %swap3A_132, %swap3A_133], %swap3A_136 {strides = array<i32>} : memref<46x56x128xf32, #tpu.memory_space<vmem>>, vector<1x56x128xf32>,
    %slice3A_137 = vector.extract_strided_slice %dot_general3A_5 {offsets = [0, 2432], sizes = [56, 128], strides = [1, 1]} : vector<56x5888xf32> to vector<56x128xf32>
    %swap3A_138 = arith.constant 19 : index
    %swap3A_139 = arith.constant 0 : index
    %swap3A_140 = arith.constant 0 : index
    %swap3A_141 = vector.load %arg3[%swap3A_138, %swap3A_139, %swap3A_140] : memref<46x56x128xf32, #tpu.memory_space<vmem>>, vector<1x56x128xf32>
    %swap3A_142 = vector.shape_cast %swap3A_141 : vector<1x56x128xf32> to vector<56x128xf32>
    %swap3A_143 = vector.shape_cast %slice3A_137 : vector<56x128xf32> to vector<1x56x128xf32>
    tpu.vector_store %arg3[%swap3A_138, %swap3A_139, %swap3A_140], %swap3A_143 {strides = array<i32>} : memref<46x56x128xf32, #tpu.memory_space<vmem>>, vector<1x56x128xf32>,
    %slice3A_144 = vector.extract_strided_slice %dot_general3A_5 {offsets = [0, 2560], sizes = [56, 128], strides = [1, 1]} : vector<56x5888xf32> to vector<56x128xf32>
    %swap3A_145 = arith.constant 20 : index
    %swap3A_146 = arith.constant 0 : index
    %swap3A_147 = arith.constant 0 : index
    %swap3A_148 = vector.load %arg3[%swap3A_145, %swap3A_146, %swap3A_147] : memref<46x56x128xf32, #tpu.memory_space<vmem>>, vector<1x56x128xf32>
    %swap3A_149 = vector.shape_cast %swap3A_148 : vector<1x56x128xf32> to vector<56x128xf32>
    %swap3A_150 = vector.shape_cast %slice3A_144 : vector<56x128xf32> to vector<1x56x128xf32>
    tpu.vector_store %arg3[%swap3A_145, %swap3A_146, %swap3A_147], %swap3A_150 {strides = array<i32>} : memref<46x56x128xf32, #tpu.memory_space<vmem>>, vector<1x56x128xf32>,
    %slice3A_151 = vector.extract_strided_slice %dot_general3A_5 {offsets = [0, 2688], sizes = [56, 128], strides = [1, 1]} : vector<56x5888xf32> to vector<56x128xf32>
    %swap3A_152 = arith.constant 21 : index
    %swap3A_153 = arith.constant 0 : index
    %swap3A_154 = arith.constant 0 : index
    %swap3A_155 = vector.load %arg3[%swap3A_152, %swap3A_153, %swap3A_154] : memref<46x56x128xf32, #tpu.memory_space<vmem>>, vector<1x56x128xf32>
    %swap3A_156 = vector.shape_cast %swap3A_155 : vector<1x56x128xf32> to vector<56x128xf32>
    %swap3A_157 = vector.shape_cast %slice3A_151 : vector<56x128xf32> to vector<1x56x128xf32>
    tpu.vector_store %arg3[%swap3A_152, %swap3A_153, %swap3A_154], %swap3A_157 {strides = array<i32>} : memref<46x56x128xf32, #tpu.memory_space<vmem>>, vector<1x56x128xf32>,
    %slice3A_158 = vector.extract_strided_slice %dot_general3A_5 {offsets = [0, 2816], sizes = [56, 128], strides = [1, 1]} : vector<56x5888xf32> to vector<56x128xf32>
    %swap3A_159 = arith.constant 22 : index
    %swap3A_160 = arith.constant 0 : index
    %swap3A_161 = arith.constant 0 : index
    %swap3A_162 = vector.load %arg3[%swap3A_159, %swap3A_160, %swap3A_161] : memref<46x56x128xf32, #tpu.memory_space<vmem>>, vector<1x56x128xf32>
    %swap3A_163 = vector.shape_cast %swap3A_162 : vector<1x56x128xf32> to vector<56x128xf32>
    %swap3A_164 = vector.shape_cast %slice3A_158 : vector<56x128xf32> to vector<1x56x128xf32>
    tpu.vector_store %arg3[%swap3A_159, %swap3A_160, %swap3A_161], %swap3A_164 {strides = array<i32>} : memref<46x56x128xf32, #tpu.memory_space<vmem>>, vector<1x56x128xf32>,
    %slice3A_165 = vector.extract_strided_slice %dot_general3A_5 {offsets = [0, 2944], sizes = [56, 128], strides = [1, 1]} : vector<56x5888xf32> to vector<56x128xf32>
    %swap3A_166 = arith.constant 23 : index
    %swap3A_167 = arith.constant 0 : index
    %swap3A_168 = arith.constant 0 : index
    %swap3A_169 = vector.load %arg3[%swap3A_166, %swap3A_167, %swap3A_168] : memref<46x56x128xf32, #tpu.memory_space<vmem>>, vector<1x56x128xf32>
    %swap3A_170 = vector.shape_cast %swap3A_169 : vector<1x56x128xf32> to vector<56x128xf32>
    %swap3A_171 = vector.shape_cast %slice3A_165 : vector<56x128xf32> to vector<1x56x128xf32>
    tpu.vector_store %arg3[%swap3A_166, %swap3A_167, %swap3A_168], %swap3A_171 {strides = array<i32>} : memref<46x56x128xf32, #tpu.memory_space<vmem>>, vector<1x56x128xf32>,
    %slice3A_172 = vector.extract_strided_slice %dot_general3A_5 {offsets = [0, 3072], sizes = [56, 128], strides = [1, 1]} : vector<56x5888xf32> to vector<56x128xf32>
    %swap3A_173 = arith.constant 24 : index
    %swap3A_174 = arith.constant 0 : index
    %swap3A_175 = arith.constant 0 : index
    %swap3A_176 = vector.load %arg3[%swap3A_173, %swap3A_174, %swap3A_175] : memref<46x56x128xf32, #tpu.memory_space<vmem>>, vector<1x56x128xf32>
    %swap3A_177 = vector.shape_cast %swap3A_176 : vector<1x56x128xf32> to vector<56x128xf32>
    %swap3A_178 = vector.shape_cast %slice3A_172 : vector<56x128xf32> to vector<1x56x128xf32>
    tpu.vector_store %arg3[%swap3A_173, %swap3A_174, %swap3A_175], %swap3A_178 {strides = array<i32>} : memref<46x56x128xf32, #tpu.memory_space<vmem>>, vector<1x56x128xf32>,
    %slice3A_179 = vector.extract_strided_slice %dot_general3A_5 {offsets = [0, 3200], sizes = [56, 128], strides = [1, 1]} : vector<56x5888xf32> to vector<56x128xf32>
    %swap3A_180 = arith.constant 25 : index
    %swap3A_181 = arith.constant 0 : index
    %swap3A_182 = arith.constant 0 : index
    %swap3A_183 = vector.load %arg3[%swap3A_180, %swap3A_181, %swap3A_182] : memref<46x56x128xf32, #tpu.memory_space<vmem>>, vector<1x56x128xf32>
    %swap3A_184 = vector.shape_cast %swap3A_183 : vector<1x56x128xf32> to vector<56x128xf32>
    %swap3A_185 = vector.shape_cast %slice3A_179 : vector<56x128xf32> to vector<1x56x128xf32>
    tpu.vector_store %arg3[%swap3A_180, %swap3A_181, %swap3A_182], %swap3A_185 {strides = array<i32>} : memref<46x56x128xf32, #tpu.memory_space<vmem>>, vector<1x56x128xf32>,
    %slice3A_186 = vector.extract_strided_slice %dot_general3A_5 {offsets = [0, 3328], sizes = [56, 128], strides = [1, 1]} : vector<56x5888xf32> to vector<56x128xf32>
    %swap3A_187 = arith.constant 26 : index
    %swap3A_188 = arith.constant 0 : index
    %swap3A_189 = arith.constant 0 : index
    %swap3A_190 = vector.load %arg3[%swap3A_187, %swap3A_188, %swap3A_189] : memref<46x56x128xf32, #tpu.memory_space<vmem>>, vector<1x56x128xf32>
    %swap3A_191 = vector.shape_cast %swap3A_190 : vector<1x56x128xf32> to vector<56x128xf32>
    %swap3A_192 = vector.shape_cast %slice3A_186 : vector<56x128xf32> to vector<1x56x128xf32>
    tpu.vector_store %arg3[%swap3A_187, %swap3A_188, %swap3A_189], %swap3A_192 {strides = array<i32>} : memref<46x56x128xf32, #tpu.memory_space<vmem>>, vector<1x56x128xf32>,
    %slice3A_193 = vector.extract_strided_slice %dot_general3A_5 {offsets = [0, 3456], sizes = [56, 128], strides = [1, 1]} : vector<56x5888xf32> to vector<56x128xf32>
    %swap3A_194 = arith.constant 27 : index
    %swap3A_195 = arith.constant 0 : index
    %swap3A_196 = arith.constant 0 : index
    %swap3A_197 = vector.load %arg3[%swap3A_194, %swap3A_195, %swap3A_196] : memref<46x56x128xf32, #tpu.memory_space<vmem>>, vector<1x56x128xf32>
    %swap3A_198 = vector.shape_cast %swap3A_197 : vector<1x56x128xf32> to vector<56x128xf32>
    %swap3A_199 = vector.shape_cast %slice3A_193 : vector<56x128xf32> to vector<1x56x128xf32>
    tpu.vector_store %arg3[%swap3A_194, %swap3A_195, %swap3A_196], %swap3A_199 {strides = array<i32>} : memref<46x56x128xf32, #tpu.memory_space<vmem>>, vector<1x56x128xf32>,
    %slice3A_200 = vector.extract_strided_slice %dot_general3A_5 {offsets = [0, 3584], sizes = [56, 128], strides = [1, 1]} : vector<56x5888xf32> to vector<56x128xf32>
    %swap3A_201 = arith.constant 28 : index
    %swap3A_202 = arith.constant 0 : index
    %swap3A_203 = arith.constant 0 : index
    %swap3A_204 = vector.load %arg3[%swap3A_201, %swap3A_202, %swap3A_203] : memref<46x56x128xf32, #tpu.memory_space<vmem>>, vector<1x56x128xf32>
    %swap3A_205 = vector.shape_cast %swap3A_204 : vector<1x56x128xf32> to vector<56x128xf32>
    %swap3A_206 = vector.shape_cast %slice3A_200 : vector<56x128xf32> to vector<1x56x128xf32>
    tpu.vector_store %arg3[%swap3A_201, %swap3A_202, %swap3A_203], %swap3A_206 {strides = array<i32>} : memref<46x56x128xf32, #tpu.memory_space<vmem>>, vector<1x56x128xf32>,
    %slice3A_207 = vector.extract_strided_slice %dot_general3A_5 {offsets = [0, 3712], sizes = [56, 128], strides = [1, 1]} : vector<56x5888xf32> to vector<56x128xf32>
    %swap3A_208 = arith.constant 29 : index
    %swap3A_209 = arith.constant 0 : index
    %swap3A_210 = arith.constant 0 : index
    %swap3A_211 = vector.load %arg3[%swap3A_208, %swap3A_209, %swap3A_210] : memref<46x56x128xf32, #tpu.memory_space<vmem>>, vector<1x56x128xf32>
    %swap3A_212 = vector.shape_cast %swap3A_211 : vector<1x56x128xf32> to vector<56x128xf32>
    %swap3A_213 = vector.shape_cast %slice3A_207 : vector<56x128xf32> to vector<1x56x128xf32>
    tpu.vector_store %arg3[%swap3A_208, %swap3A_209, %swap3A_210], %swap3A_213 {strides = array<i32>} : memref<46x56x128xf32, #tpu.memory_space<vmem>>, vector<1x56x128xf32>,
    %slice3A_214 = vector.extract_strided_slice %dot_general3A_5 {offsets = [0, 3840], sizes = [56, 128], strides = [1, 1]} : vector<56x5888xf32> to vector<56x128xf32>
    %swap3A_215 = arith.constant 30 : index
    %swap3A_216 = arith.constant 0 : index
    %swap3A_217 = arith.constant 0 : index
    %swap3A_218 = vector.load %arg3[%swap3A_215, %swap3A_216, %swap3A_217] : memref<46x56x128xf32, #tpu.memory_space<vmem>>, vector<1x56x128xf32>
    %swap3A_219 = vector.shape_cast %swap3A_218 : vector<1x56x128xf32> to vector<56x128xf32>
    %swap3A_220 = vector.shape_cast %slice3A_214 : vector<56x128xf32> to vector<1x56x128xf32>
    tpu.vector_store %arg3[%swap3A_215, %swap3A_216, %swap3A_217], %swap3A_220 {strides = array<i32>} : memref<46x56x128xf32, #tpu.memory_space<vmem>>, vector<1x56x128xf32>,
    %slice3A_221 = vector.extract_strided_slice %dot_general3A_5 {offsets = [0, 3968], sizes = [56, 128], strides = [1, 1]} : vector<56x5888xf32> to vector<56x128xf32>
    %swap3A_222 = arith.constant 31 : index
    %swap3A_223 = arith.constant 0 : index
    %swap3A_224 = arith.constant 0 : index
    %swap3A_225 = vector.load %arg3[%swap3A_222, %swap3A_223, %swap3A_224] : memref<46x56x128xf32, #tpu.memory_space<vmem>>, vector<1x56x128xf32>
    %swap3A_226 = vector.shape_cast %swap3A_225 : vector<1x56x128xf32> to vector<56x128xf32>
    %swap3A_227 = vector.shape_cast %slice3A_221 : vector<56x128xf32> to vector<1x56x128xf32>
    tpu.vector_store %arg3[%swap3A_222, %swap3A_223, %swap3A_224], %swap3A_227 {strides = array<i32>} : memref<46x56x128xf32, #tpu.memory_space<vmem>>, vector<1x56x128xf32>,
    %slice3A_228 = vector.extract_strided_slice %dot_general3A_5 {offsets = [0, 4096], sizes = [56, 128], strides = [1, 1]} : vector<56x5888xf32> to vector<56x128xf32>
    %swap3A_229 = arith.constant 32 : index
    %swap3A_230 = arith.constant 0 : index
    %swap3A_231 = arith.constant 0 : index
    %swap3A_232 = vector.load %arg3[%swap3A_229, %swap3A_230, %swap3A_231] : memref<46x56x128xf32, #tpu.memory_space<vmem>>, vector<1x56x128xf32>
    %swap3A_233 = vector.shape_cast %swap3A_232 : vector<1x56x128xf32> to vector<56x128xf32>
    %swap3A_234 = vector.shape_cast %slice3A_228 : vector<56x128xf32> to vector<1x56x128xf32>
    tpu.vector_store %arg3[%swap3A_229, %swap3A_230, %swap3A_231], %swap3A_234 {strides = array<i32>} : memref<46x56x128xf32, #tpu.memory_space<vmem>>, vector<1x56x128xf32>,
    %slice3A_235 = vector.extract_strided_slice %dot_general3A_5 {offsets = [0, 4224], sizes = [56, 128], strides = [1, 1]} : vector<56x5888xf32> to vector<56x128xf32>
    %swap3A_236 = arith.constant 33 : index
    %swap3A_237 = arith.constant 0 : index
    %swap3A_238 = arith.constant 0 : index
    %swap3A_239 = vector.load %arg3[%swap3A_236, %swap3A_237, %swap3A_238] : memref<46x56x128xf32, #tpu.memory_space<vmem>>, vector<1x56x128xf32>
    %swap3A_240 = vector.shape_cast %swap3A_239 : vector<1x56x128xf32> to vector<56x128xf32>
    %swap3A_241 = vector.shape_cast %slice3A_235 : vector<56x128xf32> to vector<1x56x128xf32>
    tpu.vector_store %arg3[%swap3A_236, %swap3A_237, %swap3A_238], %swap3A_241 {strides = array<i32>} : memref<46x56x128xf32, #tpu.memory_space<vmem>>, vector<1x56x128xf32>,
    %slice3A_242 = vector.extract_strided_slice %dot_general3A_5 {offsets = [0, 4352], sizes = [56, 128], strides = [1, 1]} : vector<56x5888xf32> to vector<56x128xf32>
    %swap3A_243 = arith.constant 34 : index
    %swap3A_244 = arith.constant 0 : index
    %swap3A_245 = arith.constant 0 : index
    %swap3A_246 = vector.load %arg3[%swap3A_243, %swap3A_244, %swap3A_245] : memref<46x56x128xf32, #tpu.memory_space<vmem>>, vector<1x56x128xf32>
    %swap3A_247 = vector.shape_cast %swap3A_246 : vector<1x56x128xf32> to vector<56x128xf32>
    %swap3A_248 = vector.shape_cast %slice3A_242 : vector<56x128xf32> to vector<1x56x128xf32>
    tpu.vector_store %arg3[%swap3A_243, %swap3A_244, %swap3A_245], %swap3A_248 {strides = array<i32>} : memref<46x56x128xf32, #tpu.memory_space<vmem>>, vector<1x56x128xf32>,
    %slice3A_249 = vector.extract_strided_slice %dot_general3A_5 {offsets = [0, 4480], sizes = [56, 128], strides = [1, 1]} : vector<56x5888xf32> to vector<56x128xf32>
    %swap3A_250 = arith.constant 35 : index
    %swap3A_251 = arith.constant 0 : index
    %swap3A_252 = arith.constant 0 : index
    %swap3A_253 = vector.load %arg3[%swap3A_250, %swap3A_251, %swap3A_252] : memref<46x56x128xf32, #tpu.memory_space<vmem>>, vector<1x56x128xf32>
    %swap3A_254 = vector.shape_cast %swap3A_253 : vector<1x56x128xf32> to vector<56x128xf32>
    %swap3A_255 = vector.shape_cast %slice3A_249 : vector<56x128xf32> to vector<1x56x128xf32>
    tpu.vector_store %arg3[%swap3A_250, %swap3A_251, %swap3A_252], %swap3A_255 {strides = array<i32>} : memref<46x56x128xf32, #tpu.memory_space<vmem>>, vector<1x56x128xf32>,
    %slice3A_256 = vector.extract_strided_slice %dot_general3A_5 {offsets = [0, 4608], sizes = [56, 128], strides = [1, 1]} : vector<56x5888xf32> to vector<56x128xf32>
    %swap3A_257 = arith.constant 36 : index
    %swap3A_258 = arith.constant 0 : index
    %swap3A_259 = arith.constant 0 : index
    %swap3A_260 = vector.load %arg3[%swap3A_257, %swap3A_258, %swap3A_259] : memref<46x56x128xf32, #tpu.memory_space<vmem>>, vector<1x56x128xf32>
    %swap3A_261 = vector.shape_cast %swap3A_260 : vector<1x56x128xf32> to vector<56x128xf32>
    %swap3A_262 = vector.shape_cast %slice3A_256 : vector<56x128xf32> to vector<1x56x128xf32>
    tpu.vector_store %arg3[%swap3A_257, %swap3A_258, %swap3A_259], %swap3A_262 {strides = array<i32>} : memref<46x56x128xf32, #tpu.memory_space<vmem>>, vector<1x56x128xf32>,
    %slice3A_263 = vector.extract_strided_slice %dot_general3A_5 {offsets = [0, 4736], sizes = [56, 128], strides = [1, 1]} : vector<56x5888xf32> to vector<56x128xf32>
    %swap3A_264 = arith.constant 37 : index
    %swap3A_265 = arith.constant 0 : index
    %swap3A_266 = arith.constant 0 : index
    %swap3A_267 = vector.load %arg3[%swap3A_264, %swap3A_265, %swap3A_266] : memref<46x56x128xf32, #tpu.memory_space<vmem>>, vector<1x56x128xf32>
    %swap3A_268 = vector.shape_cast %swap3A_267 : vector<1x56x128xf32> to vector<56x128xf32>
    %swap3A_269 = vector.shape_cast %slice3A_263 : vector<56x128xf32> to vector<1x56x128xf32>
    tpu.vector_store %arg3[%swap3A_264, %swap3A_265, %swap3A_266], %swap3A_269 {strides = array<i32>} : memref<46x56x128xf32, #tpu.memory_space<vmem>>, vector<1x56x128xf32>,
    %slice3A_270 = vector.extract_strided_slice %dot_general3A_5 {offsets = [0, 4864], sizes = [56, 128], strides = [1, 1]} : vector<56x5888xf32> to vector<56x128xf32>
    %swap3A_271 = arith.constant 38 : index
    %swap3A_272 = arith.constant 0 : index
    %swap3A_273 = arith.constant 0 : index
    %swap3A_274 = vector.load %arg3[%swap3A_271, %swap3A_272, %swap3A_273] : memref<46x56x128xf32, #tpu.memory_space<vmem>>, vector<1x56x128xf32>
    %swap3A_275 = vector.shape_cast %swap3A_274 : vector<1x56x128xf32> to vector<56x128xf32>
    %swap3A_276 = vector.shape_cast %slice3A_270 : vector<56x128xf32> to vector<1x56x128xf32>
    tpu.vector_store %arg3[%swap3A_271, %swap3A_272, %swap3A_273], %swap3A_276 {strides = array<i32>} : memref<46x56x128xf32, #tpu.memory_space<vmem>>, vector<1x56x128xf32>,
    %slice3A_277 = vector.extract_strided_slice %dot_general3A_5 {offsets = [0, 4992], sizes = [56, 128], strides = [1, 1]} : vector<56x5888xf32> to vector<56x128xf32>
    %swap3A_278 = arith.constant 39 : index
    %swap3A_279 = arith.constant 0 : index
    %swap3A_280 = arith.constant 0 : index
    %swap3A_281 = vector.load %arg3[%swap3A_278, %swap3A_279, %swap3A_280] : memref<46x56x128xf32, #tpu.memory_space<vmem>>, vector<1x56x128xf32>
    %swap3A_282 = vector.shape_cast %swap3A_281 : vector<1x56x128xf32> to vector<56x128xf32>
    %swap3A_283 = vector.shape_cast %slice3A_277 : vector<56x128xf32> to vector<1x56x128xf32>
    tpu.vector_store %arg3[%swap3A_278, %swap3A_279, %swap3A_280], %swap3A_283 {strides = array<i32>} : memref<46x56x128xf32, #tpu.memory_space<vmem>>, vector<1x56x128xf32>,
    %slice3A_284 = vector.extract_strided_slice %dot_general3A_5 {offsets = [0, 5120], sizes = [56, 128], strides = [1, 1]} : vector<56x5888xf32> to vector<56x128xf32>
    %swap3A_285 = arith.constant 40 : index
    %swap3A_286 = arith.constant 0 : index
    %swap3A_287 = arith.constant 0 : index
    %swap3A_288 = vector.load %arg3[%swap3A_285, %swap3A_286, %swap3A_287] : memref<46x56x128xf32, #tpu.memory_space<vmem>>, vector<1x56x128xf32>
    %swap3A_289 = vector.shape_cast %swap3A_288 : vector<1x56x128xf32> to vector<56x128xf32>
    %swap3A_290 = vector.shape_cast %slice3A_284 : vector<56x128xf32> to vector<1x56x128xf32>
    tpu.vector_store %arg3[%swap3A_285, %swap3A_286, %swap3A_287], %swap3A_290 {strides = array<i32>} : memref<46x56x128xf32, #tpu.memory_space<vmem>>, vector<1x56x128xf32>,
    %slice3A_291 = vector.extract_strided_slice %dot_general3A_5 {offsets = [0, 5248], sizes = [56, 128], strides = [1, 1]} : vector<56x5888xf32> to vector<56x128xf32>
    %swap3A_292 = arith.constant 41 : index
    %swap3A_293 = arith.constant 0 : index
    %swap3A_294 = arith.constant 0 : index
    %swap3A_295 = vector.load %arg3[%swap3A_292, %swap3A_293, %swap3A_294] : memref<46x56x128xf32, #tpu.memory_space<vmem>>, vector<1x56x128xf32>
    %swap3A_296 = vector.shape_cast %swap3A_295 : vector<1x56x128xf32> to vector<56x128xf32>
    %swap3A_297 = vector.shape_cast %slice3A_291 : vector<56x128xf32> to vector<1x56x128xf32>
    tpu.vector_store %arg3[%swap3A_292, %swap3A_293, %swap3A_294], %swap3A_297 {strides = array<i32>} : memref<46x56x128xf32, #tpu.memory_space<vmem>>, vector<1x56x128xf32>,
    %slice3A_298 = vector.extract_strided_slice %dot_general3A_5 {offsets = [0, 5376], sizes = [56, 128], strides = [1, 1]} : vector<56x5888xf32> to vector<56x128xf32>
    %swap3A_299 = arith.constant 42 : index
    %swap3A_300 = arith.constant 0 : index
    %swap3A_301 = arith.constant 0 : index
    %swap3A_302 = vector.load %arg3[%swap3A_299, %swap3A_300, %swap3A_301] : memref<46x56x128xf32, #tpu.memory_space<vmem>>, vector<1x56x128xf32>
    %swap3A_303 = vector.shape_cast %swap3A_302 : vector<1x56x128xf32> to vector<56x128xf32>
    %swap3A_304 = vector.shape_cast %slice3A_298 : vector<56x128xf32> to vector<1x56x128xf32>
    tpu.vector_store %arg3[%swap3A_299, %swap3A_300, %swap3A_301], %swap3A_304 {strides = array<i32>} : memref<46x56x128xf32, #tpu.memory_space<vmem>>, vector<1x56x128xf32>,
    %slice3A_305 = vector.extract_strided_slice %dot_general3A_5 {offsets = [0, 5504], sizes = [56, 128], strides = [1, 1]} : vector<56x5888xf32> to vector<56x128xf32>
    %swap3A_306 = arith.constant 43 : index
    %swap3A_307 = arith.constant 0 : index
    %swap3A_308 = arith.constant 0 : index
    %swap3A_309 = vector.load %arg3[%swap3A_306, %swap3A_307, %swap3A_308] : memref<46x56x128xf32, #tpu.memory_space<vmem>>, vector<1x56x128xf32>
    %swap3A_310 = vector.shape_cast %swap3A_309 : vector<1x56x128xf32> to vector<56x128xf32>
    %swap3A_311 = vector.shape_cast %slice3A_305 : vector<56x128xf32> to vector<1x56x128xf32>
    tpu.vector_store %arg3[%swap3A_306, %swap3A_307, %swap3A_308], %swap3A_311 {strides = array<i32>} : memref<46x56x128xf32, #tpu.memory_space<vmem>>, vector<1x56x128xf32>,
    %slice3A_312 = vector.extract_strided_slice %dot_general3A_5 {offsets = [0, 5632], sizes = [56, 128], strides = [1, 1]} : vector<56x5888xf32> to vector<56x128xf32>
    %swap3A_313 = arith.constant 44 : index
    %swap3A_314 = arith.constant 0 : index
    %swap3A_315 = arith.constant 0 : index
    %swap3A_316 = vector.load %arg3[%swap3A_313, %swap3A_314, %swap3A_315] : memref<46x56x128xf32, #tpu.memory_space<vmem>>, vector<1x56x128xf32>
    %swap3A_317 = vector.shape_cast %swap3A_316 : vector<1x56x128xf32> to vector<56x128xf32>
    %swap3A_318 = vector.shape_cast %slice3A_312 : vector<56x128xf32> to vector<1x56x128xf32>
    tpu.vector_store %arg3[%swap3A_313, %swap3A_314, %swap3A_315], %swap3A_318 {strides = array<i32>} : memref<46x56x128xf32, #tpu.memory_space<vmem>>, vector<1x56x128xf32>,
    %slice3A_319 = vector.extract_strided_slice %dot_general3A_5 {offsets = [0, 5760], sizes = [56, 128], strides = [1, 1]} : vector<56x5888xf32> to vector<56x128xf32>
    %swap3A_320 = arith.constant 45 : index
    %swap3A_321 = arith.constant 0 : index
    %swap3A_322 = arith.constant 0 : index
    %swap3A_323 = vector.load %arg3[%swap3A_320, %swap3A_321, %swap3A_322] : memref<46x56x128xf32, #tpu.memory_space<vmem>>, vector<1x56x128xf32>
    %swap3A_324 = vector.shape_cast %swap3A_323 : vector<1x56x128xf32> to vector<56x128xf32>
    %swap3A_325 = vector.shape_cast %slice3A_319 : vector<56x128xf32> to vector<1x56x128xf32>
    tpu.vector_store %arg3[%swap3A_320, %swap3A_321, %swap3A_322], %swap3A_325 {strides = array<i32>} : memref<46x56x128xf32, #tpu.memory_space<vmem>>, vector<1x56x128xf32>,
    return
  }
  func.func @transform_0(%arg0: i32) -> (i32, i32) {
    %c0_i32 = arith.constant 0 : i32
    %c0_i32_0 = arith.constant 0 : i32
    %c0_i32_1 = arith.constant 0 : i32
    return %c0_i32, %c0_i32_0 : i32, i32
  }
  func.func @transform_1(%arg0: i32) -> (i32, i32) {
    %c0_i32 = arith.constant 0 : i32
    %c0_i32_0 = arith.constant 0 : i32
    return %c0_i32, %arg0 : i32, i32
  }
  func.func @transform_2(%arg0: i32) -> (i32, i32, i32) {
    %c0_i32 = arith.constant 0 : i32
    %c0_i32_0 = arith.constant 0 : i32
    %c0_i32_1 = arith.constant 0 : i32
    return %arg0, %c0_i32, %c0_i32_0 : i32, i32, i32
  }
}

</mosaic_0001>

<sc_bundles>
// kernel: kernel.4.cloned.1.call-start
scs
__scs_entry_jumppad:
0x0: {  	(pc) =	sbr.rel $0x88, $3  }
0x1: {  	(tag) =	ssettag $0x0;
	lr =	simm.s32 $0x1  }
0x2: {  	[smem:$0x3F9D] =	sst lr;
	_ =	strace $0xD0000000  }
0x3: {  	_ = 	snop  }
0x4: {  	_ = 	snop  }
0x5: {  	_ = 	snop  }
0x6: {  	_ = 	snop  }
0x7: {  	_ = 	snop  }
__scs_overlays_trampoline_lowered:
0x8: {  	[smem:$0x3FAC] =	sst s0  }
0x9: {  	[smem:$0x3FAD] =	sst s1  }
0xa: {  	[smem:$0x3FAE] =	sst s2  }
0xb: {  	[smem:$0x3FAF] =	sst s3  }
0xc: {  	[smem:$0x3FB0] =	sst s4  }
0xd: {  	[smem:$0x3FB1] =	sst s5  }
0xe: {  	[smem:$0x3FB2] =	sst s6  }
0xf: {  	[smem:$0x3FB3] =	sst s7  }
0x10: {  	[smem:$0x3FB4] =	sst s8  }
0x11: {  	[smem:$0x3FB5] =	sst s9;
	s0 =	simm.s32 @!p0 $0x0  }
0x12: {  	s1 =	sld [smem:$0x3F9B];
	s0 =	simm.s32 @p0 $0x1  }
0x13: {  	[smem:$0x3FB6] =	sst s0;
	s0 =	simm.s32 @!p1 $0x0  }
0x14: {  	s2 =	sld [smem:$0x3F9A];
	s0 =	simm.s32 @p1 $0x1  }
0x15: {  	[smem:$0x3FB7] =	sst s0;
	s0 =	simm.s32 @!p2 $0x0  }
0x16: {  	s3 =	sld [smem:$0x3FDB];
	s0 =	simm.s32 @p2 $0x1  }
0x17: {  	s4 =	simm.s32 $0x1BF5;
	[smem:$0x3FB9] =	sst s0  }
0x18: {  	s0 =	sld [smem:$0x3F9C];
	_ =	swait.ge [sflag:s4], $0x0  }
0x19: {  	s7 =	sld [smem:$0x3F9D]  }
0x1a: {  	s8 =	sadd.s32 $0xFFFFE003, lr  }
0x1b: {  	s9 =	sadd.s32 $0xFFFFFEF7, lr;
	s5 =	simm.s32 $0xFFFFFFFF;
	p2 =	slt.u32 s8, $0xFFFFF086  }
0x1c: {  	p1 =	slt.u32 s9, $0xF7A;
	s5 =	simm.s32 @!p2 $0x0  }
0x1d: {  	s5 =	simm.s32 @p1 $0x1;
	p0 =	seq.s32 s7, s2  }
0x1e: {  	s7 =	smul.u32 @!p0 $0xF7A, s2;
	p2 =	seq.s32 @!p0 s5, $0x0  }
0x1f: {  	s9 =	smul.u32 $0xF7A, s1;
	s8 =	simm.s32 @!p0 $0x1BF5;
	p2 =	por !p2, p0  }
0x20: {  	[sflag:s8] =	ssyncset.s32 @!p0 $0xFFFFF086;
	s6 =	sadd.s32 @!p0 s3, s7;
	s7 =	simm.s32 @!p0 $0x108  }
0x21: {  	s3 =	sadd.s32 s3, s9;
	s6 =	sadd.s32 @!p0 $0x88, s6;
	s7 =	simm.s32 @p2 $0x1082  }
0x22: {  	[simem:s7], [sflag:s8] =	dma.local @!p0 [hbm:s6], $0xF7A  }
0x23: {  	s9 =	sor.u32 $0xD0000000, s2;
	s6 =	simm.s32 $0x108;
	_ =	swait.ge @!p0 [sflag:s8], $0x0  }
0x24: {  	s3 =	sadd.s32 $0x88, s3;
	s6 =	simm.s32 @!p1 $0x1082;
	[sflag:s4] =	ssyncset.s32 $0xFFFFF086  }
0x25: {  	[simem:s6], [sflag:s4] =	dma.local [hbm:s3], $0xF7A  }
0x26: {  	[smem:$0x3F9D] =	sst s1;
	(tag) =	ssettag s2;
	_ =	strace s9  }
0x27: {  	s1 =	sld [smem:$0x3FAD]  }
0x28: {  	s2 =	sld [smem:$0x3FAE]  }
0x29: {  	s4 =	sld [smem:$0x3FB0]  }
0x2a: {  	p0 =	seq.s32 s5, $0x0;
	s5 =	sld [smem:$0x3FB1]  }
0x2b: {  	s6 =	sld [smem:$0x3FB2]  }
0x2c: {  	s7 =	sld [smem:$0x3FB3]  }
0x2d: {  	s3 =	simm.s32 $0x108;
	s8 =	sld [smem:$0x3FB4]  }
0x2e: {  	s3 =	simm.s32 @!p0 $0x1082;
	s9 =	sld [smem:$0x3FB5]  }
0x2f: {  	lr =	sadd.s32 s0, s3;
	s0 =	sld [smem:$0x3FAC]  }
0x30: {  	s3 =	sld [smem:$0x3FAF]  }
0x31: {  	[smem:$0x3FB8] =	sst s10  }
0x32: {  	s10 =	sld [smem:$0x3FB6];
	_ =	sdelay $0x3  }
0x33: {  	p0 =	seq.s32 s10, $0x1;
	s10 =	sld [smem:$0x3FB8];
	_ =	sdelay $0x3  }
0x34: {  	[smem:$0x3FB8] =	sst s10  }
0x35: {  	s10 =	sld [smem:$0x3FB7];
	_ =	sdelay $0x3  }
0x36: {  	p1 =	seq.s32 s10, $0x1;
	s10 =	sld [smem:$0x3FB8];
	_ =	sdelay $0x3  }
0x37: {  	[smem:$0x3FB8] =	sst s10  }
0x38: {  	s10 =	sld [smem:$0x3FB9]  }
0x39: {  	_ = 	snop;
	(pc) =	sbr.ind lr, $3  }
0x3a: {  	_ = 	snop  }
0x3b: {  	_ = 	snop  }
0x3c: {  	p2 =	seq.s32 s10, $0x1;
	s10 =	sld [smem:$0x3FB8]  }
0x3d: {  	_ =	shalt  }
0x3e: {  	_ =	shalt  }
0x3f: {  	_ =	shalt  }
0x40: {  	_ =	shalt  }
0x41: {  	_ =	shalt  }
0x42: {  	_ =	shalt  }
0x43: {  	_ =	shalt  }
0x44: {  	_ =	shalt  }
0x45: {  	_ =	shalt  }
0x46: {  	_ =	shalt  }
0x47: {  	_ =	shalt  }
0x48: {  	_ =	shalt  }
0x49: {  	_ =	shalt  }
0x4a: {  	_ =	shalt  }
0x4b: {  	_ =	shalt  }
0x4c: {  	_ =	shalt  }
0x4d: {  	_ =	shalt  }
0x4e: {  	_ =	shalt  }
0x4f: {  	_ =	shalt  }
0x50: {  	_ =	shalt  }
0x51: {  	_ =	shalt  }
0x52: {  	_ =	shalt  }
0x53: {  	_ =	shalt  }
0x54: {  	_ =	shalt  }
0x55: {  	_ =	shalt  }
0x56: {  	_ =	shalt  }
0x57: {  	_ =	shalt  }
0x58: {  	_ =	shalt  }
0x59: {  	_ =	shalt  }
0x5a: {  	_ =	shalt  }
0x5b: {  	_ =	shalt  }
0x5c: {  	_ =	shalt  }
0x5d: {  	_ =	shalt  }
0x5e: {  	_ =	shalt  }
0x5f: {  	_ =	shalt  }
0x60: {  	_ =	shalt  }
0x61: {  	_ =	shalt  }
0x62: {  	_ =	shalt  }
0x63: {  	_ =	shalt  }
0x64: {  	_ =	shalt  }
0x65: {  	_ =	shalt  }
0x66: {  	_ =	shalt  }
0x67: {  	_ =	shalt  }
0x68: {  	_ =	shalt  }
0x69: {  	_ =	shalt  }
0x6a: {  	_ =	shalt  }
0x6b: {  	_ =	shalt  }
0x6c: {  	_ =	shalt  }
0x6d: {  	_ =	shalt  }
0x6e: {  	_ =	shalt  }
0x6f: {  	_ =	shalt  }
0x70: {  	_ =	shalt  }
0x71: {  	_ =	shalt  }
0x72: {  	_ =	shalt  }
0x73: {  	_ =	shalt  }
0x74: {  	_ =	shalt  }
0x75: {  	_ =	shalt  }
0x76: {  	_ =	shalt  }
0x77: {  	_ =	shalt  }
0x78: {  	_ =	shalt  }
0x79: {  	_ =	shalt  }
0x7a: {  	_ =	shalt  }
0x7b: {  	_ =	shalt  }
0x7c: {  	_ =	shalt  }
0x7d: {  	_ =	shalt  }
0x7e: {  	_ =	shalt  }
0x7f: {  	_ =	shalt  }
0x80: {  	_ =	shalt  }
0x81: {  	_ =	shalt  }
0x82: {  	_ =	shalt  }
0x83: {  	_ =	shalt  }
0x84: {  	_ =	shalt  }
0x85: {  	_ =	shalt  }
0x86: {  	_ =	shalt  }
0x87: {  	_ =	shalt  }
.Lfunc_end0:
.L_simem_size_0:
called_computation_lowered:
.L_overlay_start_0:
0x88: {  	s2 =	sld [smem:$0x3FD9]  }
0x89: {  	s3 =	sld [smem:$0x3FFE];
	_ =	sdelay $0x1  }
0x8a: {  	s1 =	srdreg.scid  }
0x8b: {  	s0 =	sand.u32 $0x1, s1  }
0x8c: {  	s17 =	sshll.u32 s0, $0xA;
	s2 =	sadd.s32 s3, s2  }
0x8d: {  	s2 =	sadd.s32 s2, s17  }
0x8e: {  	[smem:$0x3FC4] =	sst s2  }
0x8f: {  	_ = 	snop  }
0x90: {  	s2 =	sld [smem:$0x3FD0];
	(tm) =	ssettm $0x1  }
0x91: {  	s18 =	sld [smem:$0x3FFB];
	_ =	sdelay $0x3  }
0x92: {  	_ =	strace s18  }
0x93: {  	s3 =	sld [smem:$0x3FFC];
	_ =	sdelay $0x3  }
0x94: {  	_ =	strace s3  }
0x95: {  	s3 =	sld [smem:$0x3FFD];
	_ =	sdelay $0x3  }
0x96: {  	_ =	strace s3  }
0x97: {  	_ =	strace $0x8FFFFFFF  }
0x98: {  	s19 =	sld [smem:$0x3FDB];
	_ =	sdelay $0x1  }
0x99: {  	s4 =	simm.s32 $_scs_section_size  }
0x9a: {  	s5 =	simm.s32 $_size__tile_overlayer_lowered;
	s6 =	simm.s32 $_tile_overlayer_lowered  }
0x9b: {  	s22 =	simm.s32 $0x1BFF;
	s21 =	sshll.u32 s6, $0x1;
	s3 =	sadd.s32 s4, s19  }
0x9c: {  	s7 =	simm.s32 $0x0;
	s20 =	sshll.u32 s5, $0x1;
	s5 =	sadd.s32 s21, s3  }
0x9d: {  	[timem:s7], [sflag:s22] =	dma.local [hbm:s5], s20  }
0x9e: {  	_ =	swait.ge [sflag:s22], s20  }
0x9f: {  	s4 =	ssub.s32 $0x0, s20;
	[sflag:s22] =	ssyncset.done $0x0  }
0xa0: {  	[sflag:s22] =	ssyncadd.s32 s4;
	_ =	sdelay $0x1  }
0xa1: {  	s23 =	simm.s32 $0x1B8B  }
0xa2: {  	_ =	swait.ge [sflag:s23], $0x1  }
0xa3: {  	[sflag:s23] =	ssyncset.done $0x0  }
0xa4: {  	s25 =	simm.s32 $0x1B8E;
	s24 =	sld [smem:$0x3FFE];
	[sflag:s23] =	ssyncadd.s32 $0xFFFFFFFF  }
0xa5: {  	s26 =	simm.s32 $execute0_lowered;
	[smem:$0x3FD2] =	sst s25  }
0xa6: {  	s5 =	sshll.u32 s26, $0x1;
	_ =	strace $0x80000046;
	[dreg:$0x1] =	wrdreg $0xFFFFFFFF  }
0xa7: {  	s28 =	simm.s32 $_size_execute0_lowered;
	s3 =	sadd.s32 s3, s5;
	[dreg:$0x0] =	wrdreg $0x0  }
0xa8: {  	s5 =	sshll.u32 s28, $0x1;
	[dreg:$0x2] =	wrdreg s3  }
0xa9: {  	[dreg:$0x3] =	wrdreg s5  }
0xaa: {  	[dreg:$0x4] =	wrdreg $0xC0  }
0xab: {  	_ =	task [dreg:s7], $0x5FFFF  }
0xac: {  	[dreg:$0x1] =	wrdreg $0xFFFFFFFF  }
0xad: {  	[dreg:$0x0] =	wrdreg $0x60  }
0xae: {  	[dreg:$0x2] =	wrdreg s24  }
0xaf: {  	[dreg:$0x3] =	wrdreg s2  }
0xb0: {  	[dreg:$0x4] =	wrdreg $0x9  }
0xb1: {  	_ =	task.clear_ibuf [dreg:s7], $0x5FFFF;
	_ =	strace $0x90000046  }
0xb2: {  	s29 =	simm.s32 $0x9;
	_ =	strace $0x80000048  }
0xb3: {  	_ =	swait.ge [sflag:s29], $0x1  }
0xb4: {  	[sflag:s29] =	ssyncadd.s32 $0xFFFFFFFF  }
0xb5: {  	_ =	strace $0x90000048  }
0xb6: {  	_ =	sfence  }
0xb7: {  	s30 =	sld [smem:$0x0];
	_ =	sdelay $0x2  }
0xb8: {  	s31 =	sshll.u32 s1, $0xD;
	s1 =	sshrl.u32 s1, $0x2  }
0xb9: {  	s3 =	sand.u32 $0x4000, s31;
	s1 =	sadd.s32 s1, s30  }
0xba: {  	s0 =	sor.u32 s3, s0;
	s1 =	sshll.u32 s1, $0x11  }
0xbb: {  	s0 =	sor.u32 s1, s0  }
0xbc: {  	s0 =	sadd.s32 $0x8F2B, s0  }
0xbd: {  	[sflag:s0] =	ssyncadd.remote.s32 $0x1  }
0xbe: {  	_ =	sfence.sel $0xFFFF  }
0xbf: {  	[dreg:$0x0] =	wrdreg $0xFFFFFFFF;
	(pc) =	sbr.abs _section_cstart, $3  }
0xc0: {  	[dreg:$0x1] =	wrdreg $0xFFFFFFFF  }
0xc1: {  	_ =	task.clear_ibuf [dreg:s7], $0x2FFFF;
	_ =	strace $0x9FFFFFFF  }
0xc2: {  	(tm) =	ssettm $0x7FFFFFFF  }
0xc3: {  	_ =	shalt  }
tec
execute0_lowered:
.L_overlay_start_1:
0x0: {  	(tag) =	ssettag $0x1  }
0x1: {  	s0 =	rddreg [dreg:$0x0]  }
0x2: {  	s1 =	rddreg [dreg:$0x1];
	s2 =	simm.s32 $0x0  }
0x3: {  	s11 =	simm.s32 $0x960;
	[smem:$0x7FF] =	sst s2  }
0x4: {  	s12 =	simm.s32 $0x370;
	_ =	strace $0x80000047;
	[dreg:$0x4] =	wrdreg s11  }
0x5: {  	s13 =	simm.s32 $0x9B0;
	[dreg:$0x5] =	wrdreg s12  }
0x6: {  	s14 =	simm.s32 $0x3C0;
	[dreg:$0x6] =	wrdreg s13  }
0x7: {  	s15 =	simm.s32 $0xA00;
	[dreg:$0x7] =	wrdreg s14  }
0x8: {  	s3 =	srdreg.scid;
	s16 =	simm.s32 $0x410;
	[dreg:$0x8] =	wrdreg s15  }
0x9: {  	s4 =	stileid.u32;
	s17 =	simm.s32 $0xA50;
	[dreg:$0x9] =	wrdreg s16  }
0xa: {  	s19 =	simm.s32 $0x460;
	s20 =	simm.s32 $0xAA0;
	[dreg:$0xa] =	wrdreg s17  }
0xb: {  	s21 =	simm.s32 $0x4B0;
	s22 =	simm.s32 $0xAF0;
	[dreg:$0xb] =	wrdreg s19  }
0xc: {  	s23 =	simm.s32 $0x500;
	s24 =	simm.s32 $0xB40;
	[dreg:$0xc] =	wrdreg s20  }
0xd: {  	s25 =	simm.s32 $0x550;
	s26 =	simm.s32 $0xB90;
	[dreg:$0xd] =	wrdreg s21  }
0xe: {  	s28 =	simm.s32 $0x5A0;
	s5 =	sand.u32 $0x1, s3;
	[dreg:$0xe] =	wrdreg s22  }
0xf: {  	s6 =	smul.u32 $0x3200, s4;
	s3 =	sadd.s32 $0x200, s0;
	[dreg:$0xf] =	wrdreg s23  }
0x10: {  	s8 =	sshll.u32 s4, $0x1;
	s4 =	sadd.s32 $0x6600, s0;
	[dreg:$0x10] =	wrdreg s24  }
0x11: {  	s7 =	smul.u32 $0x1900, s5;
	s8 =	sor.u32 s5, s8;
	[dreg:$0x11] =	wrdreg s25  }
0x12: {  	s29 =	ssub.s32 $0x2, s5;
	s5 =	sadd.s32 $0xB1800, s0;
	[dreg:$0x12] =	wrdreg s26  }
0x13: {  	s11 =	simm.s32 $0x3;
	s12 =	simm.s32 $0x50;
	[dreg:$0x13] =	wrdreg s28  }
0x14: {  	s13 =	simm.s32 $0xC80;
	s14 =	simm.s32 $0x0;
	s30 =	smul.u32 $0x320, s8  }
0x15: {  	s31 =	sshrl.u32 s29, $0x1;
	s8 =	sshll.u32 s8, $0x4;
	s9 =	sadd.s32 s7, s6  }
0x16: {  	s0 =	ssub.s32 s29, s31;
	s7 =	sadd.s32 s1, s8;
	s29 =	simm.s32 $0xBE0  }
0x17: {  	s31 =	simm.s32 $0xC30;
	s1 =	simm.s32 $0x1;
	s10 =	sadd.s32 $0x320, s9  }
0x18: {  	s6 =	sadd.s32 s3, s30;
	s8 =	smax.u32 s0, $0x1;
	[dreg:$0x14] =	wrdreg s29  }
0x19: {  	s30 =	simm.s32 $0x5F0;
	[dreg:$0x16] =	wrdreg s31;
	s10 =	sshrl.u32 s10, $0x3  }
0x1a: {  	s18 =	sadd.s32 $0x640, s9;
	[dreg:$0x15] =	wrdreg s30;
	s10 =	sadd.s32 s10, s3  }
0x1b: {  	s0 =	simm.s32 $0x320;
	[dreg:$0x3] =	wrdreg s10;
	s10 =	simm.s32 $0x2  }
.LBB2_1:
0x1c: {  	s9 =	simm.s32 $0xD00  }
0x1d: {  	[tilespmem:s9], [sflag:$0x3] =	stream.linear.gather [hbm4b:s5+s2], $0x10, $0x38;
	[tilespmem:$0xD10] =	vst v63  }
0x1e: {  	_ =	swait.ge [sflag:s11], $0x10  }
0x1f: {  	[sflag:s11] =	ssyncset.done $0x0  }
0x20: {  	[sflag:s11] =	ssyncadd.s32 $0xFFFFFFF0  }
0x21: {  	v0 =	vld [tilespmem:$0xD00];
	[tilespmem:s2], [sflag:$0x3] =	stream.linear.gather [hbm4b:s6+s2], $0x320, $0x38  }
0x22: {  	_ =	swait.ge [sflag:s11], $0x320  }
0x23: {  	[sflag:s11] =	ssyncset.done $0x0  }
0x24: {  	s22 =	simm.s32 $0x640;
	[sflag:s11] =	ssyncadd.s32 $0xFFFFFCE0  }
0x25: {  	[tilespmem:s22], [sflag:$0x1] =	stream.indirect.gather [hbm4b:s4+s12], $0x1, s2, s12, $0xb8;
	[tilespmem:$0xD10] =	vst v63  }
0x26: {  	s23 =	simm.s32 $0x690  }
0x27: {  	[tilespmem:s23], [sflag:$0x1] =	stream.indirect.gather [hbm4b:s4+s12], $0x1, s12, s12, $0xb8;
	[tilespmem:$0xD10] =	vst v63  }
0x28: {  	s24 =	simm.s32 $0xA0;
	s15 =	simm.s32 $0x6E0  }
0x29: {  	[tilespmem:s15], [sflag:$0x1] =	stream.indirect.gather [hbm4b:s4+s12], $0x1, s24, s12, $0xb8;
	[tilespmem:$0xD10] =	vst v63  }
0x2a: {  	s25 =	simm.s32 $0xF0;
	s26 =	simm.s32 $0x730  }
0x2b: {  	[tilespmem:s26], [sflag:$0x1] =	stream.indirect.gather [hbm4b:s4+s12], $0x1, s25, s12, $0xb8;
	[tilespmem:$0xD10] =	vst v63  }
0x2c: {  	s28 =	simm.s32 $0x140;
	s29 =	simm.s32 $0x780  }
0x2d: {  	[tilespmem:s29], [sflag:$0x1] =	stream.indirect.gather [hbm4b:s4+s12], $0x1, s28, s12, $0xb8;
	[tilespmem:$0xD10] =	vst v63  }
0x2e: {  	s30 =	simm.s32 $0x190;
	s31 =	simm.s32 $0x7D0  }
0x2f: {  	[tilespmem:s31], [sflag:$0x1] =	stream.indirect.gather [hbm4b:s4+s12], $0x1, s30, s12, $0xb8;
	[tilespmem:$0xD10] =	vst v63  }
0x30: {  	s16 =	simm.s32 $0x1E0;
	s17 =	simm.s32 $0x820  }
0x31: {  	[tilespmem:s17], [sflag:$0x1] =	stream.indirect.gather [hbm4b:s4+s12], $0x1, s16, s12, $0xb8;
	[tilespmem:$0xD10] =	vst v63  }
0x32: {  	s19 =	simm.s32 $0x230;
	s20 =	simm.s32 $0x870  }
0x33: {  	[tilespmem:s20], [sflag:$0x1] =	stream.indirect.gather [hbm4b:s4+s12], $0x1, s19, s12, $0xb8;
	[tilespmem:$0xD10] =	vst v63  }
0x34: {  	s21 =	simm.s32 $0x280;
	s22 =	simm.s32 $0x8C0  }
0x35: {  	[tilespmem:s22], [sflag:$0x1] =	stream.indirect.gather [hbm4b:s4+s12], $0x1, s21, s12, $0xb8;
	[tilespmem:$0xD10] =	vst v63  }
0x36: {  	s23 =	rddreg [dreg:$0x3];
	s24 =	simm.s32 $0x2D0;
	s16 =	simm.s32 $0x910  }
0x37: {  	[tilespmem:s16], [sflag:$0x1] =	stream.indirect.gather [hbm4b:s4+s12], $0x1, s24, s12, $0xb8;
	[tilespmem:$0xD10] =	vst v63  }
0x38: {  	s9 =	sadd.s32 $0x0, s23  }
0x39: {  	[tilespmem:s0], [sflag:$0x3] =	stream.linear.gather [hbm4b:s9+s2], $0x320, $0x38;
	[tilespmem:$0xD10] =	vst v63  }
0x3a: {  	_ =	swait.ge [sflag:s11], $0x320  }
0x3b: {  	s25 =	rddreg [dreg:$0x5]  }
0x3c: {  	s26 =	rddreg [dreg:$0x4]  }
0x3d: {  	s28 =	rddreg [dreg:$0x6]  }
0x3e: {  	s17 =	rddreg [dreg:$0x8]  }
0x3f: {  	s29 =	rddreg [dreg:$0x7]  }
0x40: {  	s30 =	rddreg [dreg:$0xa]  }
0x41: {  	s31 =	rddreg [dreg:$0x9]  }
0x42: {  	s19 =	rddreg [dreg:$0xc]  }
0x43: {  	[sflag:s11] =	ssyncset.done $0x0;
	s20 =	rddreg [dreg:$0xb]  }
0x44: {  	s21 =	rddreg [dreg:$0xe];
	[sflag:s11] =	ssyncadd.s32 $0xFFFFFCE0  }
0x45: {  	[tilespmem:s26], [sflag:$0x2] =	stream.indirect.gather [hbm4b:s4+s12], $0x1, s0, s12, $0xb8;
	[tilespmem:$0xD10] =	vst v63  }
0x46: {  	s22 =	rddreg [dreg:$0xd]  }
0x47: {  	[tilespmem:s28], [sflag:$0x2] =	stream.indirect.gather [hbm4b:s4+s12], $0x1, s25, s12, $0xb8;
	[tilespmem:$0xD10] =	vst v63  }
0x48: {  	s23 =	rddreg [dreg:$0x10]  }
0x49: {  	[tilespmem:s17], [sflag:$0x2] =	stream.indirect.gather [hbm4b:s4+s12], $0x1, s29, s12, $0xb8;
	[tilespmem:$0xD10] =	vst v63  }
0x4a: {  	s24 =	rddreg [dreg:$0xf]  }
0x4b: {  	[tilespmem:s30], [sflag:$0x2] =	stream.indirect.gather [hbm4b:s4+s12], $0x1, s31, s12, $0xb8;
	[tilespmem:$0xD10] =	vst v63  }
0x4c: {  	s26 =	rddreg [dreg:$0x11]  }
0x4d: {  	[tilespmem:s19], [sflag:$0x2] =	stream.indirect.gather [hbm4b:s4+s12], $0x1, s20, s12, $0xb8;
	[tilespmem:$0xD10] =	vst v63  }
0x4e: {  	s25 =	rddreg [dreg:$0x12]  }
0x4f: {  	[tilespmem:s21], [sflag:$0x2] =	stream.indirect.gather [hbm4b:s4+s12], $0x1, s22, s12, $0xb8;
	[tilespmem:$0xD10] =	vst v63  }
0x50: {  	s28 =	rddreg [dreg:$0x14]  }
0x51: {  	[tilespmem:s23], [sflag:$0x2] =	stream.indirect.gather [hbm4b:s4+s12], $0x1, s24, s12, $0xb8;
	[tilespmem:$0xD10] =	vst v63  }
0x52: {  	s29 =	rddreg [dreg:$0x13]  }
0x53: {  	[tilespmem:s25], [sflag:$0x2] =	stream.indirect.gather [hbm4b:s4+s12], $0x1, s26, s12, $0xb8;
	[tilespmem:$0xD10] =	vst v63  }
0x54: {  	s30 =	rddreg [dreg:$0x16]  }
0x55: {  	[tilespmem:s28], [sflag:$0x2] =	stream.indirect.gather [hbm4b:s4+s12], $0x1, s29, s12, $0xb8;
	[tilespmem:$0xD10] =	vst v63  }
0x56: {  	s31 =	rddreg [dreg:$0x15]  }
0x57: {  	[tilespmem:s30], [sflag:$0x2] =	stream.indirect.gather [hbm4b:s4+s12], $0x1, s31, s12, $0xb8;
	[tilespmem:$0xD10] =	vst v63  }
0x58: {  	_ =	swait.ge [sflag:s1], $0x320  }
0x59: {  	[sflag:s1] =	ssyncset.done $0x0  }
0x5a: {  	[sflag:s1] =	ssyncadd.s32 $0xFFFFFCE0  }
0x5b: {  	v1 =	vld [tilespmem:$0x640];
	_ =	sdelay $0x1  }
0x5c: {  	v2 =	vld [tilespmem:$0x650];
	_ =	sdelay $0x1  }
0x5d: {  	v3 =	vld [tilespmem:$0x660]  }
0x5e: {  	v1 =	vadd.f32 v1, v0  }
0x5f: {  	v4 =	vld [tilespmem:$0x670]  }
0x60: {  	v1 =	vadd.f32 v2, v1  }
0x61: {  	v2 =	vld [tilespmem:$0x680]  }
0x62: {  	v1 =	vadd.f32 v3, v1  }
0x63: {  	v3 =	vld [tilespmem:$0x690]  }
0x64: {  	v1 =	vadd.f32 v4, v1  }
0x65: {  	v4 =	vld [tilespmem:$0x6A0]  }
0x66: {  	v1 =	vadd.f32 v2, v1  }
0x67: {  	v2 =	vld [tilespmem:$0x6B0]  }
0x68: {  	v1 =	vadd.f32 v3, v1  }
0x69: {  	v3 =	vld [tilespmem:$0x6C0]  }
0x6a: {  	v1 =	vadd.f32 v4, v1  }
0x6b: {  	v4 =	vld [tilespmem:$0x6D0]  }
0x6c: {  	v1 =	vadd.f32 v2, v1  }
0x6d: {  	v2 =	vld [tilespmem:$0x6E0]  }
0x6e: {  	v1 =	vadd.f32 v3, v1  }
0x6f: {  	v3 =	vld [tilespmem:$0x6F0]  }
0x70: {  	v1 =	vadd.f32 v4, v1  }
0x71: {  	v4 =	vld [tilespmem:$0x700]  }
0x72: {  	v1 =	vadd.f32 v2, v1  }
0x73: {  	v2 =	vld [tilespmem:$0x710]  }
0x74: {  	v1 =	vadd.f32 v3, v1  }
0x75: {  	v3 =	vld [tilespmem:$0x720]  }
0x76: {  	v1 =	vadd.f32 v4, v1  }
0x77: {  	v4 =	vld [tilespmem:$0x730]  }
0x78: {  	v1 =	vadd.f32 v2, v1  }
0x79: {  	v2 =	vld [tilespmem:$0x740]  }
0x7a: {  	v1 =	vadd.f32 v3, v1  }
0x7b: {  	v3 =	vld [tilespmem:$0x750]  }
0x7c: {  	v1 =	vadd.f32 v4, v1  }
0x7d: {  	v4 =	vld [tilespmem:$0x760]  }
0x7e: {  	v1 =	vadd.f32 v2, v1  }
0x7f: {  	v2 =	vld [tilespmem:$0x770]  }
0x80: {  	v1 =	vadd.f32 v3, v1  }
0x81: {  	v3 =	vld [tilespmem:$0x780]  }
0x82: {  	v1 =	vadd.f32 v4, v1  }
0x83: {  	v4 =	vld [tilespmem:$0x790]  }
0x84: {  	v1 =	vadd.f32 v2, v1  }
0x85: {  	v2 =	vld [tilespmem:$0x7A0]  }
0x86: {  	v1 =	vadd.f32 v3, v1  }
0x87: {  	v3 =	vld [tilespmem:$0x7B0]  }
0x88: {  	v1 =	vadd.f32 v4, v1  }
0x89: {  	v4 =	vld [tilespmem:$0x7C0]  }
0x8a: {  	v1 =	vadd.f32 v2, v1  }
0x8b: {  	v2 =	vld [tilespmem:$0x7D0]  }
0x8c: {  	v1 =	vadd.f32 v3, v1  }
0x8d: {  	v3 =	vld [tilespmem:$0x7E0]  }
0x8e: {  	v1 =	vadd.f32 v4, v1  }
0x8f: {  	v4 =	vld [tilespmem:$0x7F0]  }
0x90: {  	v1 =	vadd.f32 v2, v1  }
0x91: {  	v2 =	vld [tilespmem:$0x800]  }
0x92: {  	v1 =	vadd.f32 v3, v1  }
0x93: {  	v3 =	vld [tilespmem:$0x810]  }
0x94: {  	v1 =	vadd.f32 v4, v1  }
0x95: {  	v4 =	vld [tilespmem:$0x820]  }
0x96: {  	v1 =	vadd.f32 v2, v1  }
0x97: {  	v2 =	vld [tilespmem:$0x830]  }
0x98: {  	v1 =	vadd.f32 v3, v1  }
0x99: {  	v3 =	vld [tilespmem:$0x840]  }
0x9a: {  	v1 =	vadd.f32 v4, v1  }
0x9b: {  	v4 =	vld [tilespmem:$0x850]  }
0x9c: {  	v1 =	vadd.f32 v2, v1  }
0x9d: {  	v2 =	vld [tilespmem:$0x860]  }
0x9e: {  	v1 =	vadd.f32 v3, v1  }
0x9f: {  	v3 =	vld [tilespmem:$0x870]  }
0xa0: {  	v1 =	vadd.f32 v4, v1  }
0xa1: {  	v4 =	vld [tilespmem:$0x880]  }
0xa2: {  	v1 =	vadd.f32 v2, v1  }
0xa3: {  	v2 =	vld [tilespmem:$0x890]  }
0xa4: {  	v1 =	vadd.f32 v3, v1  }
0xa5: {  	v3 =	vld [tilespmem:$0x8A0]  }
0xa6: {  	v1 =	vadd.f32 v4, v1  }
0xa7: {  	v4 =	vld [tilespmem:$0x8B0]  }
0xa8: {  	v1 =	vadd.f32 v2, v1  }
0xa9: {  	v2 =	vld [tilespmem:$0x8C0]  }
0xaa: {  	v1 =	vadd.f32 v3, v1  }
0xab: {  	v3 =	vld [tilespmem:$0x8D0]  }
0xac: {  	v1 =	vadd.f32 v4, v1  }
0xad: {  	v4 =	vld [tilespmem:$0x8E0]  }
0xae: {  	v1 =	vadd.f32 v2, v1  }
0xaf: {  	v2 =	vld [tilespmem:$0x8F0]  }
0xb0: {  	v1 =	vadd.f32 v3, v1  }
0xb1: {  	v3 =	vld [tilespmem:$0x900]  }
0xb2: {  	v1 =	vadd.f32 v4, v1  }
0xb3: {  	v4 =	vld [tilespmem:$0x910]  }
0xb4: {  	v1 =	vadd.f32 v2, v1  }
0xb5: {  	v2 =	vld [tilespmem:$0x920]  }
0xb6: {  	v1 =	vadd.f32 v3, v1  }
0xb7: {  	v3 =	vld [tilespmem:$0x930]  }
0xb8: {  	v1 =	vadd.f32 v4, v1  }
0xb9: {  	v4 =	vld [tilespmem:$0x940]  }
0xba: {  	v1 =	vadd.f32 v2, v1  }
0xbb: {  	v2 =	vld [tilespmem:$0x950]  }
0xbc: {  	v1 =	vadd.f32 v3, v1;
	_ =	sdelay $0x1  }
0xbd: {  	v1 =	vadd.f32 v4, v1;
	_ =	sdelay $0x1  }
0xbe: {  	p0 =	por $0x0, $0x0;
	v1 =	vadd.f32 v2, v1  }
0xbf: {  	s15 =	simm.s32 $0xC90;
	s9 =	sshrl.u32 @!p0 s18, $0x3  }
0xc0: {  	s16 =	simm.s32 @!p0 $0x0;
	s9 =	sadd.s32 @!p0 s3, s9;
	s17 =	simm.s32 @!p0 $0x3;
	[tilespmem:s15+$0xFFFFFFF0] =	vst v1  }
0xc1: {  	[tilespmem:s16], [sflag:$0x3] =	stream.linear.gather @!p0 [hbm4b:s9+s16], $0x320, $0x38;
	[tilespmem:$0xD10] =	vst v63  }
0xc2: {  	_ =	swait.ge @!p0 [sflag:s17], $0x320  }
0xc3: {  	[sflag:s17] =	ssyncset.done @!p0 $0x0  }
0xc4: {  	s9 =	simm.s32 @!p0 $0x50;
	[sflag:s17] =	ssyncadd.s32 @!p0 $0xFFFFFCE0;
	s17 =	simm.s32 @!p0 $0x640  }
0xc5: {  	[tilespmem:s17], [sflag:$0x1] =	stream.indirect.gather @!p0 [hbm4b:s4+s9], $0x1, s16, s9, $0xb8;
	[tilespmem:$0xD10] =	vst v63  }
0xc6: {  	s16 =	simm.s32 @!p0 $0x690  }
0xc7: {  	[tilespmem:s16], [sflag:$0x1] =	stream.indirect.gather @!p0 [hbm4b:s4+s9], $0x1, s9, s9, $0xb8;
	[tilespmem:$0xD10] =	vst v63  }
0xc8: {  	s17 =	simm.s32 @!p0 $0x6E0;
	s16 =	simm.s32 @!p0 $0xA0  }
0xc9: {  	[tilespmem:s17], [sflag:$0x1] =	stream.indirect.gather @!p0 [hbm4b:s4+s9], $0x1, s16, s9, $0xb8;
	[tilespmem:$0xD10] =	vst v63  }
0xca: {  	s16 =	simm.s32 @!p0 $0xF0;
	s17 =	simm.s32 @!p0 $0x730  }
0xcb: {  	[tilespmem:s17], [sflag:$0x1] =	stream.indirect.gather @!p0 [hbm4b:s4+s9], $0x1, s16, s9, $0xb8;
	[tilespmem:$0xD10] =	vst v63  }
0xcc: {  	s16 =	simm.s32 @!p0 $0x140;
	s17 =	simm.s32 @!p0 $0x780  }
0xcd: {  	[tilespmem:s17], [sflag:$0x1] =	stream.indirect.gather @!p0 [hbm4b:s4+s9], $0x1, s16, s9, $0xb8;
	[tilespmem:$0xD10] =	vst v63  }
0xce: {  	s16 =	simm.s32 @!p0 $0x190;
	s17 =	simm.s32 @!p0 $0x7D0  }
0xcf: {  	[tilespmem:s17], [sflag:$0x1] =	stream.indirect.gather @!p0 [hbm4b:s4+s9], $0x1, s16, s9, $0xb8;
	[tilespmem:$0xD10] =	vst v63  }
0xd0: {  	s16 =	simm.s32 @!p0 $0x1E0;
	s17 =	simm.s32 @!p0 $0x820  }
0xd1: {  	[tilespmem:s17], [sflag:$0x1] =	stream.indirect.gather @!p0 [hbm4b:s4+s9], $0x1, s16, s9, $0xb8;
	[tilespmem:$0xD10] =	vst v63  }
0xd2: {  	s16 =	simm.s32 @!p0 $0x230;
	s17 =	simm.s32 @!p0 $0x870  }
0xd3: {  	[tilespmem:s17], [sflag:$0x1] =	stream.indirect.gather @!p0 [hbm4b:s4+s9], $0x1, s16, s9, $0xb8;
	[tilespmem:$0xD10] =	vst v63  }
0xd4: {  	s16 =	simm.s32 @!p0 $0x280;
	s17 =	simm.s32 @!p0 $0x8C0  }
0xd5: {  	[tilespmem:s17], [sflag:$0x1] =	stream.indirect.gather @!p0 [hbm4b:s4+s9], $0x1, s16, s9, $0xb8;
	[tilespmem:$0xD10] =	vst v63  }
0xd6: {  	s16 =	simm.s32 @!p0 $0x2D0;
	s17 =	simm.s32 @!p0 $0x910  }
0xd7: {  	[tilespmem:s17], [sflag:$0x1] =	stream.indirect.gather @!p0 [hbm4b:s4+s9], $0x1, s16, s9, $0xb8;
	[tilespmem:$0xD10] =	vst v63  }
0xd8: {  	_ =	swait.ge [sflag:s10], $0x320  }
0xd9: {  	[sflag:s10] =	ssyncset.done $0x0  }
0xda: {  	[sflag:s10] =	ssyncadd.s32 $0xFFFFFCE0  }
0xdb: {  	v1 =	vld [tilespmem:$0x960];
	_ =	sdelay $0x1  }
0xdc: {  	v2 =	vld [tilespmem:$0x970];
	_ =	sdelay $0x1  }
0xdd: {  	v3 =	vld [tilespmem:$0x980]  }
0xde: {  	v1 =	vadd.f32 v1, v0  }
0xdf: {  	v4 =	vld [tilespmem:$0x990]  }
0xe0: {  	v1 =	vadd.f32 v2, v1  }
0xe1: {  	v2 =	vld [tilespmem:$0x9A0]  }
0xe2: {  	v1 =	vadd.f32 v3, v1  }
0xe3: {  	v3 =	vld [tilespmem:$0x9B0]  }
0xe4: {  	v1 =	vadd.f32 v4, v1  }
0xe5: {  	v4 =	vld [tilespmem:$0x9C0]  }
0xe6: {  	v1 =	vadd.f32 v2, v1  }
0xe7: {  	v2 =	vld [tilespmem:$0x9D0]  }
0xe8: {  	v1 =	vadd.f32 v3, v1  }
0xe9: {  	v3 =	vld [tilespmem:$0x9E0]  }
0xea: {  	v1 =	vadd.f32 v4, v1  }
0xeb: {  	v4 =	vld [tilespmem:$0x9F0]  }
0xec: {  	v1 =	vadd.f32 v2, v1  }
0xed: {  	v2 =	vld [tilespmem:$0xA00]  }
0xee: {  	v1 =	vadd.f32 v3, v1  }
0xef: {  	v3 =	vld [tilespmem:$0xA10]  }
0xf0: {  	v1 =	vadd.f32 v4, v1  }
0xf1: {  	v4 =	vld [tilespmem:$0xA20]  }
0xf2: {  	v1 =	vadd.f32 v2, v1  }
0xf3: {  	v2 =	vld [tilespmem:$0xA30]  }
0xf4: {  	v1 =	vadd.f32 v3, v1  }
0xf5: {  	v3 =	vld [tilespmem:$0xA40]  }
0xf6: {  	v1 =	vadd.f32 v4, v1  }
0xf7: {  	v4 =	vld [tilespmem:$0xA50]  }
0xf8: {  	v1 =	vadd.f32 v2, v1  }
0xf9: {  	v2 =	vld [tilespmem:$0xA60]  }
0xfa: {  	v1 =	vadd.f32 v3, v1  }
0xfb: {  	v3 =	vld [tilespmem:$0xA70]  }
0xfc: {  	v1 =	vadd.f32 v4, v1  }
0xfd: {  	v4 =	vld [tilespmem:$0xA80]  }
0xfe: {  	v1 =	vadd.f32 v2, v1  }
0xff: {  	v2 =	vld [tilespmem:$0xA90]  }
0x100: {  	v1 =	vadd.f32 v3, v1  }
0x101: {  	v3 =	vld [tilespmem:$0xAA0]  }
0x102: {  	v1 =	vadd.f32 v4, v1  }
0x103: {  	v4 =	vld [tilespmem:$0xAB0]  }
0x104: {  	v1 =	vadd.f32 v2, v1  }
0x105: {  	v2 =	vld [tilespmem:$0xAC0]  }
0x106: {  	v1 =	vadd.f32 v3, v1  }
0x107: {  	v3 =	vld [tilespmem:$0xAD0]  }
0x108: {  	v1 =	vadd.f32 v4, v1  }
0x109: {  	v4 =	vld [tilespmem:$0xAE0]  }
0x10a: {  	v1 =	vadd.f32 v2, v1  }
0x10b: {  	v2 =	vld [tilespmem:$0xAF0]  }
0x10c: {  	v1 =	vadd.f32 v3, v1  }
0x10d: {  	v3 =	vld [tilespmem:$0xB00]  }
0x10e: {  	v1 =	vadd.f32 v4, v1  }
0x10f: {  	v4 =	vld [tilespmem:$0xB10]  }
0x110: {  	v1 =	vadd.f32 v2, v1  }
0x111: {  	v2 =	vld [tilespmem:$0xB20]  }
0x112: {  	v1 =	vadd.f32 v3, v1  }
0x113: {  	v3 =	vld [tilespmem:$0xB30]  }
0x114: {  	v1 =	vadd.f32 v4, v1  }
0x115: {  	v4 =	vld [tilespmem:$0xB40]  }
0x116: {  	v1 =	vadd.f32 v2, v1  }
0x117: {  	v2 =	vld [tilespmem:$0xB50]  }
0x118: {  	v1 =	vadd.f32 v3, v1  }
0x119: {  	v3 =	vld [tilespmem:$0xB60]  }
0x11a: {  	v1 =	vadd.f32 v4, v1  }
0x11b: {  	v4 =	vld [tilespmem:$0xB70]  }
0x11c: {  	v1 =	vadd.f32 v2, v1  }
0x11d: {  	v2 =	vld [tilespmem:$0xB80]  }
0x11e: {  	v1 =	vadd.f32 v3, v1  }
0x11f: {  	v3 =	vld [tilespmem:$0xB90]  }
0x120: {  	v1 =	vadd.f32 v4, v1  }
0x121: {  	v4 =	vld [tilespmem:$0xBA0]  }
0x122: {  	v1 =	vadd.f32 v2, v1  }
0x123: {  	v2 =	vld [tilespmem:$0xBB0]  }
0x124: {  	v1 =	vadd.f32 v3, v1  }
0x125: {  	v3 =	vld [tilespmem:$0xBC0]  }
0x126: {  	v1 =	vadd.f32 v4, v1  }
0x127: {  	v4 =	vld [tilespmem:$0xBD0]  }
0x128: {  	v1 =	vadd.f32 v2, v1  }
0x129: {  	v2 =	vld [tilespmem:$0xBE0]  }
0x12a: {  	v1 =	vadd.f32 v3, v1  }
0x12b: {  	v3 =	vld [tilespmem:$0xBF0]  }
0x12c: {  	v1 =	vadd.f32 v4, v1  }
0x12d: {  	v4 =	vld [tilespmem:$0xC00]  }
0x12e: {  	v1 =	vadd.f32 v2, v1  }
0x12f: {  	v2 =	vld [tilespmem:$0xC10]  }
0x130: {  	v1 =	vadd.f32 v3, v1  }
0x131: {  	v3 =	vld [tilespmem:$0xC20]  }
0x132: {  	v1 =	vadd.f32 v4, v1  }
0x133: {  	v5 =	vld [tilespmem:$0xC30]  }
0x134: {  	v2 =	vadd.f32 v2, v1  }
0x135: {  	v4 =	vld [tilespmem:$0xC40]  }
0x136: {  	v1 =	vld [tilespmem:$0xC50];
	v6 =	vadd.f32 v3, v2  }
0x137: {  	v2 =	vld [tilespmem:$0xC60]  }
0x138: {  	s17 =	simm.s32 $0xC8;
	s9 =	smov.u32 s18;
	s16 =	simm.s32 $0xC90;
	v3 =	vld [tilespmem:$0xC70];
	v5 =	vadd.f32 v5, v6  }
.LBB2_2:
0x139: {  	_ = 	snop  }
0x13a: {  	v4 =	vadd.f32 v4, v5;
	_ =	sdelay $0x1  }
0x13b: {  	v1 =	vadd.f32 v1, v4;
	_ =	sdelay $0x1  }
0x13c: {  	v1 =	vadd.f32 v2, v1;
	_ =	sdelay $0x1  }
0x13d: {  	v1 =	vadd.f32 v3, v1  }
0x13e: {  	s19 =	smov.u32 s17;
	s20 =	rddreg [dreg:$0x3]  }
0x13f: {  	s20 =	sadd.s32 s19, s20;
	[tilespmem:s16+$0x0] =	vst v1  }
0x140: {  	[tilespmem:s0], [sflag:$0x3] =	stream.linear.gather [hbm4b:s20+s2], $0x320, $0x38;
	[tilespmem:$0xD10] =	vst v63  }
0x141: {  	_ =	swait.ge [sflag:s11], $0x320  }
0x142: {  	s20 =	rddreg [dreg:$0x16]  }
0x143: {  	s21 =	rddreg [dreg:$0x14]  }
0x144: {  	s22 =	rddreg [dreg:$0x12]  }
0x145: {  	s23 =	rddreg [dreg:$0x10]  }
0x146: {  	s24 =	rddreg [dreg:$0xe]  }
0x147: {  	s25 =	rddreg [dreg:$0xc]  }
0x148: {  	s26 =	rddreg [dreg:$0x5]  }
0x149: {  	s28 =	rddreg [dreg:$0x6]  }
0x14a: {  	[sflag:s11] =	ssyncset.done $0x0;
	s29 =	rddreg [dreg:$0x4]  }
0x14b: {  	s30 =	rddreg [dreg:$0x8];
	[sflag:s11] =	ssyncadd.s32 $0xFFFFFCE0  }
0x14c: {  	[tilespmem:s29], [sflag:$0x2] =	stream.indirect.gather [hbm4b:s4+s12], $0x1, s0, s12, $0xb8;
	[tilespmem:$0xD10] =	vst v63  }
0x14d: {  	s31 =	rddreg [dreg:$0xa]  }
0x14e: {  	[tilespmem:s28], [sflag:$0x2] =	stream.indirect.gather [hbm4b:s4+s12], $0x1, s26, s12, $0xb8;
	[tilespmem:$0xD10] =	vst v63  }
0x14f: {  	s29 =	rddreg [dreg:$0x7]  }
0x150: {  	[tilespmem:s30], [sflag:$0x2] =	stream.indirect.gather [hbm4b:s4+s12], $0x1, s29, s12, $0xb8;
	[tilespmem:$0xD10] =	vst v63  }
0x151: {  	s26 =	rddreg [dreg:$0x9]  }
0x152: {  	[tilespmem:s31], [sflag:$0x2] =	stream.indirect.gather [hbm4b:s4+s12], $0x1, s26, s12, $0xb8;
	[tilespmem:$0xD10] =	vst v63  }
0x153: {  	s30 =	rddreg [dreg:$0xb]  }
0x154: {  	[tilespmem:s25], [sflag:$0x2] =	stream.indirect.gather [hbm4b:s4+s12], $0x1, s30, s12, $0xb8;
	[tilespmem:$0xD10] =	vst v63  }
0x155: {  	s31 =	rddreg [dreg:$0xd]  }
0x156: {  	[tilespmem:s24], [sflag:$0x2] =	stream.indirect.gather [hbm4b:s4+s12], $0x1, s31, s12, $0xb8;
	[tilespmem:$0xD10] =	vst v63  }
0x157: {  	s28 =	rddreg [dreg:$0xf]  }
0x158: {  	[tilespmem:s23], [sflag:$0x2] =	stream.indirect.gather [hbm4b:s4+s12], $0x1, s28, s12, $0xb8;
	[tilespmem:$0xD10] =	vst v63  }
0x159: {  	s29 =	rddreg [dreg:$0x11]  }
0x15a: {  	[tilespmem:s22], [sflag:$0x2] =	stream.indirect.gather [hbm4b:s4+s12], $0x1, s29, s12, $0xb8;
	[tilespmem:$0xD10] =	vst v63  }
0x15b: {  	s30 =	rddreg [dreg:$0x13]  }
0x15c: {  	[tilespmem:s21], [sflag:$0x2] =	stream.indirect.gather [hbm4b:s4+s12], $0x1, s30, s12, $0xb8;
	[tilespmem:$0xD10] =	vst v63  }
0x15d: {  	s31 =	rddreg [dreg:$0x15]  }
0x15e: {  	[tilespmem:s20], [sflag:$0x2] =	stream.indirect.gather [hbm4b:s4+s12], $0x1, s31, s12, $0xb8;
	[tilespmem:$0xD10] =	vst v63  }
0x15f: {  	_ =	swait.ge [sflag:s1], $0x320  }
0x160: {  	[sflag:s1] =	ssyncset.done $0x0  }
0x161: {  	[sflag:s1] =	ssyncadd.s32 $0xFFFFFCE0  }
0x162: {  	v1 =	vld [tilespmem:$0x640];
	_ =	sdelay $0x1  }
0x163: {  	v2 =	vld [tilespmem:$0x650];
	_ =	sdelay $0x1  }
0x164: {  	v3 =	vld [tilespmem:$0x660]  }
0x165: {  	v1 =	vadd.f32 v1, v0  }
0x166: {  	v4 =	vld [tilespmem:$0x670]  }
0x167: {  	v1 =	vadd.f32 v2, v1  }
0x168: {  	v2 =	vld [tilespmem:$0x680]  }
0x169: {  	v1 =	vadd.f32 v3, v1  }
0x16a: {  	v3 =	vld [tilespmem:$0x690]  }
0x16b: {  	v1 =	vadd.f32 v4, v1  }
0x16c: {  	v4 =	vld [tilespmem:$0x6A0]  }
0x16d: {  	v1 =	vadd.f32 v2, v1  }
0x16e: {  	v2 =	vld [tilespmem:$0x6B0]  }
0x16f: {  	v1 =	vadd.f32 v3, v1  }
0x170: {  	v3 =	vld [tilespmem:$0x6C0]  }
0x171: {  	v1 =	vadd.f32 v4, v1  }
0x172: {  	v4 =	vld [tilespmem:$0x6D0]  }
0x173: {  	v1 =	vadd.f32 v2, v1  }
0x174: {  	v2 =	vld [tilespmem:$0x6E0]  }
0x175: {  	v1 =	vadd.f32 v3, v1  }
0x176: {  	v3 =	vld [tilespmem:$0x6F0]  }
0x177: {  	v1 =	vadd.f32 v4, v1  }
0x178: {  	v4 =	vld [tilespmem:$0x700]  }
0x179: {  	v1 =	vadd.f32 v2, v1  }
0x17a: {  	v2 =	vld [tilespmem:$0x710]  }
0x17b: {  	v1 =	vadd.f32 v3, v1  }
0x17c: {  	v3 =	vld [tilespmem:$0x720]  }
0x17d: {  	v1 =	vadd.f32 v4, v1  }
0x17e: {  	v4 =	vld [tilespmem:$0x730]  }
0x17f: {  	v1 =	vadd.f32 v2, v1  }
0x180: {  	v2 =	vld [tilespmem:$0x740]  }
0x181: {  	v1 =	vadd.f32 v3, v1  }
0x182: {  	v3 =	vld [tilespmem:$0x750]  }
0x183: {  	v1 =	vadd.f32 v4, v1  }
0x184: {  	v4 =	vld [tilespmem:$0x760]  }
0x185: {  	v1 =	vadd.f32 v2, v1  }
0x186: {  	v2 =	vld [tilespmem:$0x770]  }
0x187: {  	v1 =	vadd.f32 v3, v1  }
0x188: {  	v3 =	vld [tilespmem:$0x780]  }
0x189: {  	v1 =	vadd.f32 v4, v1  }
0x18a: {  	v4 =	vld [tilespmem:$0x790]  }
0x18b: {  	v1 =	vadd.f32 v2, v1  }
0x18c: {  	v2 =	vld [tilespmem:$0x7A0]  }
0x18d: {  	v1 =	vadd.f32 v3, v1  }
0x18e: {  	v3 =	vld [tilespmem:$0x7B0]  }
0x18f: {  	v1 =	vadd.f32 v4, v1  }
0x190: {  	v4 =	vld [tilespmem:$0x7C0]  }
0x191: {  	v1 =	vadd.f32 v2, v1  }
0x192: {  	v2 =	vld [tilespmem:$0x7D0]  }
0x193: {  	v1 =	vadd.f32 v3, v1  }
0x194: {  	v3 =	vld [tilespmem:$0x7E0]  }
0x195: {  	v1 =	vadd.f32 v4, v1  }
0x196: {  	v4 =	vld [tilespmem:$0x7F0]  }
0x197: {  	v1 =	vadd.f32 v2, v1  }
0x198: {  	v2 =	vld [tilespmem:$0x800]  }
0x199: {  	v1 =	vadd.f32 v3, v1  }
0x19a: {  	v3 =	vld [tilespmem:$0x810]  }
0x19b: {  	v1 =	vadd.f32 v4, v1  }
0x19c: {  	v4 =	vld [tilespmem:$0x820]  }
0x19d: {  	v1 =	vadd.f32 v2, v1  }
0x19e: {  	v2 =	vld [tilespmem:$0x830]  }
0x19f: {  	v1 =	vadd.f32 v3, v1  }
0x1a0: {  	v3 =	vld [tilespmem:$0x840]  }
0x1a1: {  	v1 =	vadd.f32 v4, v1  }
0x1a2: {  	v4 =	vld [tilespmem:$0x850]  }
0x1a3: {  	v1 =	vadd.f32 v2, v1  }
0x1a4: {  	v2 =	vld [tilespmem:$0x860]  }
0x1a5: {  	v1 =	vadd.f32 v3, v1  }
0x1a6: {  	v3 =	vld [tilespmem:$0x870]  }
0x1a7: {  	v1 =	vadd.f32 v4, v1  }
0x1a8: {  	v4 =	vld [tilespmem:$0x880]  }
0x1a9: {  	v1 =	vadd.f32 v2, v1  }
0x1aa: {  	v2 =	vld [tilespmem:$0x890]  }
0x1ab: {  	v1 =	vadd.f32 v3, v1  }
0x1ac: {  	v3 =	vld [tilespmem:$0x8A0]  }
0x1ad: {  	v1 =	vadd.f32 v4, v1  }
0x1ae: {  	v4 =	vld [tilespmem:$0x8B0]  }
0x1af: {  	v1 =	vadd.f32 v2, v1  }
0x1b0: {  	v2 =	vld [tilespmem:$0x8C0]  }
0x1b1: {  	v1 =	vadd.f32 v3, v1  }
0x1b2: {  	v3 =	vld [tilespmem:$0x8D0]  }
0x1b3: {  	v1 =	vadd.f32 v4, v1  }
0x1b4: {  	v4 =	vld [tilespmem:$0x8E0]  }
0x1b5: {  	v1 =	vadd.f32 v2, v1  }
0x1b6: {  	v2 =	vld [tilespmem:$0x8F0]  }
0x1b7: {  	v1 =	vadd.f32 v3, v1  }
0x1b8: {  	v3 =	vld [tilespmem:$0x900]  }
0x1b9: {  	v1 =	vadd.f32 v4, v1  }
0x1ba: {  	v4 =	vld [tilespmem:$0x910]  }
0x1bb: {  	v1 =	vadd.f32 v2, v1  }
0x1bc: {  	v2 =	vld [tilespmem:$0x920]  }
0x1bd: {  	v1 =	vadd.f32 v3, v1  }
0x1be: {  	v3 =	vld [tilespmem:$0x930]  }
0x1bf: {  	v1 =	vadd.f32 v4, v1  }
0x1c0: {  	v4 =	vld [tilespmem:$0x940]  }
0x1c1: {  	v1 =	vadd.f32 v2, v1  }
0x1c2: {  	v2 =	vld [tilespmem:$0x950]  }
0x1c3: {  	v1 =	vadd.f32 v3, v1;
	_ =	sdelay $0x1  }
0x1c4: {  	v1 =	vadd.f32 v4, v1;
	_ =	sdelay $0x1  }
0x1c5: {  	s9 =	sadd.s32 $0x640, s9;
	p1 =	seq.s32 s19, $0x258;
	v1 =	vadd.f32 v2, v1  }
0x1c6: {  	s15 =	sadd.s32 $0x20, s15;
	s19 =	sshrl.u32 @!p1 s9, $0x3  }
0x1c7: {  	s19 =	sadd.s32 @!p1 s3, s19;
	s21 =	simm.s32 @!p1 $0x3;
	s20 =	simm.s32 @!p1 $0x0;
	[tilespmem:s15+$0xFFFFFFF0] =	vst v1  }
0x1c8: {  	[tilespmem:s20], [sflag:$0x3] =	stream.linear.gather @!p1 [hbm4b:s19+s20], $0x320, $0x38;
	[tilespmem:$0xD10] =	vst v63  }
0x1c9: {  	_ =	swait.ge @!p1 [sflag:s21], $0x320  }
0x1ca: {  	[sflag:s21] =	ssyncset.done @!p1 $0x0  }
0x1cb: {  	s22 =	simm.s32 @!p1 $0x640;
	s19 =	simm.s32 @!p1 $0x50;
	[sflag:s21] =	ssyncadd.s32 @!p1 $0xFFFFFCE0  }
0x1cc: {  	[tilespmem:s22], [sflag:$0x1] =	stream.indirect.gather @!p1 [hbm4b:s4+s19], $0x1, s20, s19, $0xb8;
	[tilespmem:$0xD10] =	vst v63  }
0x1cd: {  	s21 =	simm.s32 @!p1 $0x690  }
0x1ce: {  	[tilespmem:s21], [sflag:$0x1] =	stream.indirect.gather @!p1 [hbm4b:s4+s19], $0x1, s19, s19, $0xb8;
	[tilespmem:$0xD10] =	vst v63  }
0x1cf: {  	s20 =	simm.s32 @!p1 $0xA0;
	s22 =	simm.s32 @!p1 $0x6E0  }
0x1d0: {  	[tilespmem:s22], [sflag:$0x1] =	stream.indirect.gather @!p1 [hbm4b:s4+s19], $0x1, s20, s19, $0xb8;
	[tilespmem:$0xD10] =	vst v63  }
0x1d1: {  	s23 =	simm.s32 @!p1 $0x730;
	s21 =	simm.s32 @!p1 $0xF0  }
0x1d2: {  	[tilespmem:s23], [sflag:$0x1] =	stream.indirect.gather @!p1 [hbm4b:s4+s19], $0x1, s21, s19, $0xb8;
	[tilespmem:$0xD10] =	vst v63  }
0x1d3: {  	s20 =	simm.s32 @!p1 $0x140;
	s22 =	simm.s32 @!p1 $0x780  }
0x1d4: {  	[tilespmem:s22], [sflag:$0x1] =	stream.indirect.gather @!p1 [hbm4b:s4+s19], $0x1, s20, s19, $0xb8;
	[tilespmem:$0xD10] =	vst v63  }
0x1d5: {  	s21 =	simm.s32 @!p1 $0x190;
	s23 =	simm.s32 @!p1 $0x7D0  }
0x1d6: {  	[tilespmem:s23], [sflag:$0x1] =	stream.indirect.gather @!p1 [hbm4b:s4+s19], $0x1, s21, s19, $0xb8;
	[tilespmem:$0xD10] =	vst v63  }
0x1d7: {  	s20 =	simm.s32 @!p1 $0x1E0;
	s22 =	simm.s32 @!p1 $0x820  }
0x1d8: {  	[tilespmem:s22], [sflag:$0x1] =	stream.indirect.gather @!p1 [hbm4b:s4+s19], $0x1, s20, s19, $0xb8;
	[tilespmem:$0xD10] =	vst v63  }
0x1d9: {  	s21 =	simm.s32 @!p1 $0x230;
	s23 =	simm.s32 @!p1 $0x870  }
0x1da: {  	[tilespmem:s23], [sflag:$0x1] =	stream.indirect.gather @!p1 [hbm4b:s4+s19], $0x1, s21, s19, $0xb8;
	[tilespmem:$0xD10] =	vst v63  }
0x1db: {  	s20 =	simm.s32 @!p1 $0x280;
	s22 =	simm.s32 @!p1 $0x8C0  }
0x1dc: {  	[tilespmem:s22], [sflag:$0x1] =	stream.indirect.gather @!p1 [hbm4b:s4+s19], $0x1, s20, s19, $0xb8;
	[tilespmem:$0xD10] =	vst v63  }
0x1dd: {  	s21 =	simm.s32 @!p1 $0x2D0;
	s23 =	simm.s32 @!p1 $0x910  }
0x1de: {  	[tilespmem:s23], [sflag:$0x1] =	stream.indirect.gather @!p1 [hbm4b:s4+s19], $0x1, s21, s19, $0xb8;
	[tilespmem:$0xD10] =	vst v63  }
0x1df: {  	_ =	swait.ge [sflag:s10], $0x320  }
0x1e0: {  	[sflag:s10] =	ssyncset.done $0x0  }
0x1e1: {  	[sflag:s10] =	ssyncadd.s32 $0xFFFFFCE0  }
0x1e2: {  	v1 =	vld [tilespmem:$0x960];
	_ =	sdelay $0x1  }
0x1e3: {  	v2 =	vld [tilespmem:$0x970];
	_ =	sdelay $0x1  }
0x1e4: {  	v3 =	vld [tilespmem:$0x980]  }
0x1e5: {  	v1 =	vadd.f32 v1, v0  }
0x1e6: {  	v4 =	vld [tilespmem:$0x990]  }
0x1e7: {  	v1 =	vadd.f32 v2, v1  }
0x1e8: {  	v5 =	vld [tilespmem:$0x9A0]  }
0x1e9: {  	v1 =	vadd.f32 v3, v1  }
0x1ea: {  	v6 =	vld [tilespmem:$0x9B0]  }
0x1eb: {  	v1 =	vadd.f32 v4, v1  }
0x1ec: {  	v7 =	vld [tilespmem:$0x9C0]  }
0x1ed: {  	v1 =	vadd.f32 v5, v1  }
0x1ee: {  	v2 =	vld [tilespmem:$0x9D0]  }
0x1ef: {  	v1 =	vadd.f32 v6, v1  }
0x1f0: {  	v8 =	vld [tilespmem:$0x9E0]  }
0x1f1: {  	v1 =	vadd.f32 v7, v1  }
0x1f2: {  	v3 =	vld [tilespmem:$0x9F0]  }
0x1f3: {  	v1 =	vadd.f32 v2, v1  }
0x1f4: {  	v9 =	vld [tilespmem:$0xA00]  }
0x1f5: {  	v1 =	vadd.f32 v8, v1  }
0x1f6: {  	v4 =	vld [tilespmem:$0xA10]  }
0x1f7: {  	v1 =	vadd.f32 v3, v1  }
0x1f8: {  	v10 =	vld [tilespmem:$0xA20]  }
0x1f9: {  	v1 =	vadd.f32 v9, v1  }
0x1fa: {  	v5 =	vld [tilespmem:$0xA30]  }
0x1fb: {  	v1 =	vadd.f32 v4, v1  }
0x1fc: {  	v11 =	vld [tilespmem:$0xA40]  }
0x1fd: {  	v1 =	vadd.f32 v10, v1  }
0x1fe: {  	v6 =	vld [tilespmem:$0xA50]  }
0x1ff: {  	v1 =	vadd.f32 v5, v1  }
0x200: {  	v12 =	vld [tilespmem:$0xA60]  }
0x201: {  	v1 =	vadd.f32 v11, v1  }
0x202: {  	v7 =	vld [tilespmem:$0xA70]  }
0x203: {  	v1 =	vadd.f32 v6, v1  }
0x204: {  	v13 =	vld [tilespmem:$0xA80]  }
0x205: {  	v1 =	vadd.f32 v12, v1  }
0x206: {  	v2 =	vld [tilespmem:$0xA90]  }
0x207: {  	v1 =	vadd.f32 v7, v1  }
0x208: {  	v14 =	vld [tilespmem:$0xAA0]  }
0x209: {  	v1 =	vadd.f32 v13, v1  }
0x20a: {  	v57 =	vld [tilespmem:$0xAB0]  }
0x20b: {  	v1 =	vadd.f32 v2, v1  }
0x20c: {  	v15 =	vld [tilespmem:$0xAC0]  }
0x20d: {  	v1 =	vadd.f32 v14, v1  }
0x20e: {  	v16 =	vld [tilespmem:$0xAD0]  }
0x20f: {  	v3 =	vadd.f32 v57, v1  }
0x210: {  	v17 =	vld [tilespmem:$0xAE0]  }
0x211: {  	v8 =	vadd.f32 v15, v3  }
0x212: {  	v58 =	vld [tilespmem:$0xAF0]  }
0x213: {  	v8 =	vadd.f32 v16, v8  }
0x214: {  	v18 =	vld [tilespmem:$0xB00]  }
0x215: {  	v8 =	vadd.f32 v17, v8  }
0x216: {  	v19 =	vld [tilespmem:$0xB10]  }
0x217: {  	v8 =	vadd.f32 v58, v8  }
0x218: {  	v20 =	vld [tilespmem:$0xB20]  }
0x219: {  	v8 =	vadd.f32 v18, v8  }
0x21a: {  	v59 =	vld [tilespmem:$0xB30]  }
0x21b: {  	v8 =	vadd.f32 v19, v8  }
0x21c: {  	v21 =	vld [tilespmem:$0xB40]  }
0x21d: {  	v8 =	vadd.f32 v20, v8  }
0x21e: {  	v5 =	vld [tilespmem:$0xB50]  }
0x21f: {  	v8 =	vadd.f32 v59, v8  }
0x220: {  	v22 =	vld [tilespmem:$0xB60]  }
0x221: {  	v8 =	vadd.f32 v21, v8  }
0x222: {  	v60 =	vld [tilespmem:$0xB70]  }
0x223: {  	v5 =	vadd.f32 v5, v8  }
0x224: {  	v23 =	vld [tilespmem:$0xB80]  }
0x225: {  	v5 =	vadd.f32 v22, v5  }
0x226: {  	v6 =	vld [tilespmem:$0xB90]  }
0x227: {  	v5 =	vadd.f32 v60, v5  }
0x228: {  	v24 =	vld [tilespmem:$0xBA0]  }
0x229: {  	v5 =	vadd.f32 v23, v5  }
0x22a: {  	v61 =	vld [tilespmem:$0xBB0]  }
0x22b: {  	v5 =	vadd.f32 v6, v5  }
0x22c: {  	v25 =	vld [tilespmem:$0xBC0]  }
0x22d: {  	v5 =	vadd.f32 v24, v5  }
0x22e: {  	v7 =	vld [tilespmem:$0xBD0]  }
0x22f: {  	v5 =	vadd.f32 v61, v5  }
0x230: {  	v26 =	vld [tilespmem:$0xBE0]  }
0x231: {  	v5 =	vadd.f32 v25, v5  }
0x232: {  	v62 =	vld [tilespmem:$0xBF0]  }
0x233: {  	v5 =	vadd.f32 v7, v5  }
0x234: {  	v27 =	vld [tilespmem:$0xC00]  }
0x235: {  	v5 =	vadd.f32 v26, v5  }
0x236: {  	v28 =	vld [tilespmem:$0xC10]  }
0x237: {  	v5 =	vadd.f32 v62, v5  }
0x238: {  	v29 =	vld [tilespmem:$0xC20]  }
0x239: {  	s17 =	sadd.s32 $0xC8, s17;
	v5 =	vadd.f32 v27, v5  }
0x23a: {  	p0 =	sne.s32 s17, $0x320;
	v63 =	vld [tilespmem:$0xC30]  }
.Ltmp0:
0x23b: {  	v5 =	vadd.f32 v28, v5;
	(pc) =	sbr.rel @p0 .LBB2_2-.Ltmp0, $4  }
0x23c: {  	v4 =	vld [tilespmem:$0xC40]  }
0x23d: {  	v2 =	vld [tilespmem:$0xC60];
	v5 =	vadd.f32 v29, v5  }
0x23e: {  	v1 =	vld [tilespmem:$0xC50]  }
0x23f: {  	s16 =	smov.u32 s15;
	v3 =	vld [tilespmem:$0xC70];
	v5 =	vadd.f32 v63, v5  }
0x240: {  	_ = 	snop  }
0x241: {  	v0 =	vadd.f32 v4, v5;
	_ =	sdelay $0x1  }
0x242: {  	v0 =	vadd.f32 v1, v0;
	_ =	sdelay $0x1  }
0x243: {  	v0 =	vadd.f32 v2, v0;
	_ =	sdelay $0x1  }
0x244: {  	s14 =	sadd.s32 $0x1, s14;
	v0 =	vadd.f32 v3, v0  }
0x245: {  	p0 =	sne.s32 s14, s8  }
.Ltmp1:
0x246: {  	[tilespmem:s16+$0x0] =	vst v0;
	(pc) =	sbr.rel @p0 .LBB2_1-.Ltmp1, $4  }
0x247: {  	[hbm4b:s7+s2] =	stream.linear.scatter [tilespmem:s13], [sflag:$0x3], $0x80, $0x38;
	[tilespmem:$0xD10] =	vst v63  }
0x248: {  	_ =	swait.ge [sflag:s11], $0x80  }
0x249: {  	[sflag:s11] =	ssyncset.done $0x0  }
0x24a: {  	[sflag:s11] =	ssyncadd.s32 $0xFFFFFF80  }
0x24b: {  	_ =	sfence.sel $0x180000  }
0x24c: {  	[bflag:$0x0] =	sbarrier.arrive $0xFFFF  }
0x24d: {  	_ =	strace $0x90000047  }
0x24e: {  	s0 =	stileid.u32;
	[bflag:$0x2] =	sbarrier.arrive $0xFFFF  }
0x24f: {  	p0 =	sne.s32 s0, $0x0;
	s0 =	rddreg [dreg:$0x2]  }
0x250: {  	s0 =	sadd.s32 @!p0 $0x100000, s0  }
0x251: {  	[sflag:s0] =	ssyncadd.tile.s32 @!p0 $0x1;
	_ =	shalt  }
.Lfunc_end2:
_tile_overlayer_lowered:
.L_overlay_start_2:
0x252: {  	(tag) =	ssettag $0x2  }
0x253: {  	s0 =	rddreg [dreg:$0x0];
	s2 =	stileid.u32  }
0x254: {  	s1 =	rddreg [dreg:$0x1];
	p0 =	sne.s32 s2, $0x0  }
0x255: {  	s3 =	rddreg [dreg:$0x2];
	[bflag:$0x3] =	sbarrier.arrive $0xFFFF;
	s2 =	simm.s32 @!p0 $0x1C03  }
0x256: {  	[timem:s3], [sflag:s2] =	dma.local @!p0 [hbm:s0], s1  }
0x257: {  	s0 =	simm.s32 @!p0 $0x3  }
0x258: {  	_ =	swait.ge @!p0 [sflag:s0], s1  }
0x259: {  	s1 =	ssub.s32 @!p0 $0x0, s1;
	[sflag:s0] =	ssyncset.done @!p0 $0x0  }
0x25a: {  	[sflag:s0] =	ssyncadd.s32 @!p0 s1  }
0x25b: {  	[bflag:$0x3] =	sbarrier.arrive $0xFFFF  }
0x25c: {  	_ =	shalt  }

</sc_bundles>
